<compile_context>
chip_gen: v7x
topology: tpu7x:2x2x1
jax: 0.10.2.dev20260603
libtpu: 0.0.44.dev20260713+nightly
codegen_flags: <defaults>
</compile_context>

<pallas_src>
import functools

import jax
import jax.numpy as jnp
from jax import lax
from jax.experimental import pallas as pl
from jax.experimental.pallas import tpu as pltpu
from jax.experimental.pallas import tpu_sc as plsc

_NC, _NS, _L = 2, 16, 16
_NW = _NC * _NS


def _make_sc_add(B, S, D):
    CH = 8
    SPW = S // _NW
    NCH = SPW // CH
    G = NCH * B
    NR = 8
    UNROLL = 2 * B
    HALF = NR // 2
    assert S % _NW == 0 and SPW % CH == 0 and G % UNROLL == 0
    assert B == 4 and UNROLL % NR == 0 and D % _L == 0

    mesh = plsc.VectorSubcoreMesh(core_axis_name="c", subcore_axis_name="s")

    @functools.partial(
        pl.kernel,
        out_type=jax.ShapeDtypeStruct((B * S, D), jnp.float32),
        mesh=mesh,
        compiler_params=pltpu.CompilerParams(use_tc_tiling_on_sc=True),
        scratch_types=(
            [pltpu.VMEM((CH, D), jnp.float32) for _ in range(NR + 2)]
            + [pltpu.SemaphoreType.DMA for _ in range(2 * NR + 2)]
        ),
    )
    def sc_add(x_hbm, pos_hbm, out_hbm, *refs):
        bufs = refs[0:NR]
        pbufs = refs[NR:NR + 2]
        sxs = refs[NR + 2:2 * NR + 2]
        sos = refs[2 * NR + 2:3 * NR + 2]
        sps = refs[3 * NR + 2:3 * NR + 4]

        w = lax.axis_index("s") * _NC + lax.axis_index("c")
        s_row = w * SPW

        def row_off(g):
            return lax.rem(g, B) * S + s_row + lax.div(g, B) * CH

        def start_x(g, buf, sem):
            pltpu.make_async_copy(
                x_hbm.at[pl.ds(row_off(g), CH)], buf, sem).start()

        def start_pos(c, buf, sem):
            pltpu.make_async_copy(
                pos_hbm.at[pl.ds(s_row + c * CH, CH)], buf, sem).start()

        for j in range(HALF):
            start_x(jnp.int32(j), bufs[j], sxs[j])
        for q in range(2):
            start_pos(jnp.int32(q), pbufs[q], sps[q])

        def body(i, carry):
            for j in range(UNROLL):
                g = UNROLL * i + j
                xb, sx, so = bufs[j % NR], sxs[j % NR], sos[j % NR]
                q = j // B
                pb, sp = pbufs[q], sps[q]
                c = 2 * i + q

                if j % B == 0:
                    pltpu.make_async_copy(
                        pos_hbm.at[pl.ds(s_row + c * CH, CH)], pb, sp).wait()

                pltpu.make_async_copy(
                    x_hbm.at[pl.ds(row_off(g), CH)], xb, sx).wait()

                U = 8

                def add_body(k, carry2):
                    sl = pl.ds(k * _L, _L)
                    for r0 in range(0, CH, U):
                        ps = [pb[r0 + t, sl] for t in range(U)]
                        for t in range(U):
                            plsc.addupdate(xb.at[r0 + t, sl], ps[t])
                    return carry2

                lax.fori_loop(0, D // _L, add_body, 0)

                pltpu.make_async_copy(
                    xb, out_hbm.at[pl.ds(row_off(g), CH)], so).start()

                j2 = (j + HALF) % NR
                g_old, g_new = g - HALF, g + HALF

                @pl.when(g_old >= 0)
                def _():
                    pltpu.make_async_copy(
                        bufs[j2], out_hbm.at[pl.ds(row_off(g_old), CH)],
                        sos[j2]).wait()

                @pl.when(g_new < G)
                def _():
                    start_x(g_new, bufs[j2], sxs[j2])

                if j % B == B - 1:
                    @pl.when(c + 2 < NCH)
                    def _():
                        start_pos(c + 2, pb, sp)
            return carry

        lax.fori_loop(0, G // UNROLL, body, 0)

        for j in range(HALF):
            g_last = G - HALF + j
            pltpu.make_async_copy(
                bufs[g_last % NR],
                out_hbm.at[pl.ds(row_off(jnp.int32(g_last)), CH)],
                sos[g_last % NR]).wait()

    return sc_add


def kernel(x, pos_table):
    B, S, D = x.shape
    out = _make_sc_add(B, S, D)(x.reshape(B * S, D), pos_table)
    return out.reshape(B, S, D)

# --- scband reference (transcript-rebuilt; emitter-appended) ---
"""Pipeline reference for scband-learnable-positional-encoding-18073222382255 (READ-ONLY COPY).

The authoritative reference and input builder live on the scoring server;
editing this copy changes nothing except your own understanding.
"""

import jax, jax.numpy as jnp
import numpy as np

B, S, D = 4, 4096, 1024
MAX_LEN = 4096

def setup_inputs(seed: int = 0) -> dict:
    key = jax.random.key(seed)
    k1, k2 = jax.random.split(key)
    x = jax.random.normal(k1, (B, S, D), dtype=jnp.float32)
    # nn.Embedding default init: N(0, 1)
    pos_table = jax.random.normal(k2, (MAX_LEN, D), dtype=jnp.float32)
    return {"x": x, "pos_table": pos_table}

def reference(x, pos_table):
    seq_len = x.shape[1]
    positions = jnp.arange(seq_len, dtype=jnp.int32)
    position_encodings = jnp.take(pos_table, positions, axis=0)
    return x + position_encodings

if __name__ == "__main__":
    import jax
    _d = setup_inputs()
    print(jax.jit(kernel)(*tuple(_d.values())))

</pallas_src>

<mosaic_0001>
#map = affine_map<(d0, d1) -> (0, 0)>
module attributes {stable_mosaic.version = 14 : i64} {
  func.func @sc_add(%arg0: i32, %arg1: i32, %arg2: memref<16384x1024xf32, #tpu.memory_space<hbm>>, %arg3: memref<4096x1024xf32, #tpu.memory_space<hbm>>, %arg4: memref<16384x1024xf32, #tpu.memory_space<hbm>>, %arg5: memref<8x1024xf32, #tpu.memory_space<vmem>>, %arg6: memref<8x1024xf32, #tpu.memory_space<vmem>>, %arg7: memref<8x1024xf32, #tpu.memory_space<vmem>>, %arg8: memref<8x1024xf32, #tpu.memory_space<vmem>>, %arg9: memref<8x1024xf32, #tpu.memory_space<vmem>>, %arg10: memref<8x1024xf32, #tpu.memory_space<vmem>>, %arg11: memref<8x1024xf32, #tpu.memory_space<vmem>>, %arg12: memref<8x1024xf32, #tpu.memory_space<vmem>>, %arg13: memref<8x1024xf32, #tpu.memory_space<vmem>>, %arg14: memref<8x1024xf32, #tpu.memory_space<vmem>>, %arg15: memref<!tpu.dma_semaphore, #tpu.memory_space<semaphore_mem>>, %arg16: memref<!tpu.dma_semaphore, #tpu.memory_space<semaphore_mem>>, %arg17: memref<!tpu.dma_semaphore, #tpu.memory_space<semaphore_mem>>, %arg18: memref<!tpu.dma_semaphore, #tpu.memory_space<semaphore_mem>>, %arg19: memref<!tpu.dma_semaphore, #tpu.memory_space<semaphore_mem>>, %arg20: memref<!tpu.dma_semaphore, #tpu.memory_space<semaphore_mem>>, %arg21: memref<!tpu.dma_semaphore, #tpu.memory_space<semaphore_mem>>, %arg22: memref<!tpu.dma_semaphore, #tpu.memory_space<semaphore_mem>>, %arg23: memref<!tpu.dma_semaphore, #tpu.memory_space<semaphore_mem>>, %arg24: memref<!tpu.dma_semaphore, #tpu.memory_space<semaphore_mem>>, %arg25: memref<!tpu.dma_semaphore, #tpu.memory_space<semaphore_mem>>, %arg26: memref<!tpu.dma_semaphore, #tpu.memory_space<semaphore_mem>>, %arg27: memref<!tpu.dma_semaphore, #tpu.memory_space<semaphore_mem>>, %arg28: memref<!tpu.dma_semaphore, #tpu.memory_space<semaphore_mem>>, %arg29: memref<!tpu.dma_semaphore, #tpu.memory_space<semaphore_mem>>, %arg30: memref<!tpu.dma_semaphore, #tpu.memory_space<semaphore_mem>>, %arg31: memref<!tpu.dma_semaphore, #tpu.memory_space<semaphore_mem>>, %arg32: memref<!tpu.dma_semaphore, #tpu.memory_space<semaphore_mem>>) attributes {dimension_semantics = [#tpu.dimension_semantics<core_parallel>, #tpu.dimension_semantics<subcore_parallel>], iteration_bounds = array<i64: 2, 16>, scalar_prefetch = 0 : i64, scratch_operands = 28 : i64, tpu.core_type = #tpu.core_type<sc_vector_subcore>, window_params = [{transform_indices = #map}, {transform_indices = #map}, {transform_indices = #map}]} {
    %mul3A = arith.constant 2 : i32
    %mul3A_0 = arith.muli %arg1, %mul3A : i32
    %add3A = arith.addi %mul3A_0, %arg0 : i32
    %mul3A_1 = arith.constant 128 : i32
    %mul3A_2 = arith.muli %add3A, %mul3A_1 : i32
    %rem3A = arith.constant 0 : i32
    %rem3A_3 = arith.constant 4 : i32
    %rem3A_4 = arith.remsi %rem3A, %rem3A_3 : i32
    %mul3A_5 = arith.constant 4096 : i32
    %mul3A_6 = arith.muli %rem3A_4, %mul3A_5 : i32
    %add3A_7 = arith.addi %mul3A_6, %mul3A_2 : i32
    %div3A = arith.constant 0 : i32
    %div3A_8 = arith.constant 4 : i32
    %div3A_9 = arith.divsi %div3A, %div3A_8 : i32
    %mul3A_10 = arith.constant 8 : i32
    %mul3A_11 = arith.muli %div3A_9, %mul3A_10 : i32
    %add3A_12 = arith.addi %add3A_7, %mul3A_11 : i32
    %dma_start3A = arith.constant 0 : i32
    %dma_start3A_13 = tpu.memref_slice %arg2[%add3A_12, %dma_start3A] : memref<16384x1024xf32, #tpu.memory_space<hbm>> -> memref<8x1024xf32, #tpu.memory_space<hbm>>
    %dma_start3A_14 = arith.constant 0 : i32
    %dma_start3A_15 = tpu.memref_slice %arg2[%add3A_12, %dma_start3A_14] : memref<16384x1024xf32, #tpu.memory_space<hbm>> -> memref<8x1024xf32, #tpu.memory_space<hbm>>
    tpu.enqueue_dma source(%dma_start3A_15 : memref<8x1024xf32, #tpu.memory_space<hbm>>) target(%arg5 : memref<8x1024xf32, #tpu.memory_space<vmem>>) target_semaphore(%arg15 : memref<!tpu.dma_semaphore, #tpu.memory_space<semaphore_mem>>)
    %rem3A_16 = arith.constant 1 : i32
    %rem3A_17 = arith.constant 4 : i32
    %rem3A_18 = arith.remsi %rem3A_16, %rem3A_17 : i32
    %mul3A_19 = arith.constant 4096 : i32
    %mul3A_20 = arith.muli %rem3A_18, %mul3A_19 : i32
    %add3A_21 = arith.addi %mul3A_20, %mul3A_2 : i32
    %div3A_22 = arith.constant 1 : i32
    %div3A_23 = arith.constant 4 : i32
    %div3A_24 = arith.divsi %div3A_22, %div3A_23 : i32
    %mul3A_25 = arith.constant 8 : i32
    %mul3A_26 = arith.muli %div3A_24, %mul3A_25 : i32
    %add3A_27 = arith.addi %add3A_21, %mul3A_26 : i32
    %dma_start3A_28 = arith.constant 0 : i32
    %dma_start3A_29 = tpu.memref_slice %arg2[%add3A_27, %dma_start3A_28] : memref<16384x1024xf32, #tpu.memory_space<hbm>> -> memref<8x1024xf32, #tpu.memory_space<hbm>>
    %dma_start3A_30 = arith.constant 0 : i32
    %dma_start3A_31 = tpu.memref_slice %arg2[%add3A_27, %dma_start3A_30] : memref<16384x1024xf32, #tpu.memory_space<hbm>> -> memref<8x1024xf32, #tpu.memory_space<hbm>>
    tpu.enqueue_dma source(%dma_start3A_31 : memref<8x1024xf32, #tpu.memory_space<hbm>>) target(%arg6 : memref<8x1024xf32, #tpu.memory_space<vmem>>) target_semaphore(%arg16 : memref<!tpu.dma_semaphore, #tpu.memory_space<semaphore_mem>>)
    %rem3A_32 = arith.constant 2 : i32
    %rem3A_33 = arith.constant 4 : i32
    %rem3A_34 = arith.remsi %rem3A_32, %rem3A_33 : i32
    %mul3A_35 = arith.constant 4096 : i32
    %mul3A_36 = arith.muli %rem3A_34, %mul3A_35 : i32
    %add3A_37 = arith.addi %mul3A_36, %mul3A_2 : i32
    %div3A_38 = arith.constant 2 : i32
    %div3A_39 = arith.constant 4 : i32
    %div3A_40 = arith.divsi %div3A_38, %div3A_39 : i32
    %mul3A_41 = arith.constant 8 : i32
    %mul3A_42 = arith.muli %div3A_40, %mul3A_41 : i32
    %add3A_43 = arith.addi %add3A_37, %mul3A_42 : i32
    %dma_start3A_44 = arith.constant 0 : i32
    %dma_start3A_45 = tpu.memref_slice %arg2[%add3A_43, %dma_start3A_44] : memref<16384x1024xf32, #tpu.memory_space<hbm>> -> memref<8x1024xf32, #tpu.memory_space<hbm>>
    %dma_start3A_46 = arith.constant 0 : i32
    %dma_start3A_47 = tpu.memref_slice %arg2[%add3A_43, %dma_start3A_46] : memref<16384x1024xf32, #tpu.memory_space<hbm>> -> memref<8x1024xf32, #tpu.memory_space<hbm>>
    tpu.enqueue_dma source(%dma_start3A_47 : memref<8x1024xf32, #tpu.memory_space<hbm>>) target(%arg7 : memref<8x1024xf32, #tpu.memory_space<vmem>>) target_semaphore(%arg17 : memref<!tpu.dma_semaphore, #tpu.memory_space<semaphore_mem>>)
    %rem3A_48 = arith.constant 3 : i32
    %rem3A_49 = arith.constant 4 : i32
    %rem3A_50 = arith.remsi %rem3A_48, %rem3A_49 : i32
    %mul3A_51 = arith.constant 4096 : i32
    %mul3A_52 = arith.muli %rem3A_50, %mul3A_51 : i32
    %add3A_53 = arith.addi %mul3A_52, %mul3A_2 : i32
    %div3A_54 = arith.constant 3 : i32
    %div3A_55 = arith.constant 4 : i32
    %div3A_56 = arith.divsi %div3A_54, %div3A_55 : i32
    %mul3A_57 = arith.constant 8 : i32
    %mul3A_58 = arith.muli %div3A_56, %mul3A_57 : i32
    %add3A_59 = arith.addi %add3A_53, %mul3A_58 : i32
    %dma_start3A_60 = arith.constant 0 : i32
    %dma_start3A_61 = tpu.memref_slice %arg2[%add3A_59, %dma_start3A_60] : memref<16384x1024xf32, #tpu.memory_space<hbm>> -> memref<8x1024xf32, #tpu.memory_space<hbm>>
    %dma_start3A_62 = arith.constant 0 : i32
    %dma_start3A_63 = tpu.memref_slice %arg2[%add3A_59, %dma_start3A_62] : memref<16384x1024xf32, #tpu.memory_space<hbm>> -> memref<8x1024xf32, #tpu.memory_space<hbm>>
    tpu.enqueue_dma source(%dma_start3A_63 : memref<8x1024xf32, #tpu.memory_space<hbm>>) target(%arg8 : memref<8x1024xf32, #tpu.memory_space<vmem>>) target_semaphore(%arg18 : memref<!tpu.dma_semaphore, #tpu.memory_space<semaphore_mem>>)
    %mul3A_64 = arith.constant 0 : i32
    %mul3A_65 = arith.constant 8 : i32
    %mul3A_66 = arith.muli %mul3A_64, %mul3A_65 : i32
    %add3A_67 = arith.addi %mul3A_2, %mul3A_66 : i32
    %dma_start3A_68 = arith.constant 0 : i32
    %dma_start3A_69 = tpu.memref_slice %arg3[%add3A_67, %dma_start3A_68] : memref<4096x1024xf32, #tpu.memory_space<hbm>> -> memref<8x1024xf32, #tpu.memory_space<hbm>>
    %dma_start3A_70 = arith.constant 0 : i32
    %dma_start3A_71 = tpu.memref_slice %arg3[%add3A_67, %dma_start3A_70] : memref<4096x1024xf32, #tpu.memory_space<hbm>> -> memref<8x1024xf32, #tpu.memory_space<hbm>>
    tpu.enqueue_dma source(%dma_start3A_71 : memref<8x1024xf32, #tpu.memory_space<hbm>>) target(%arg13 : memref<8x1024xf32, #tpu.memory_space<vmem>>) target_semaphore(%arg31 : memref<!tpu.dma_semaphore, #tpu.memory_space<semaphore_mem>>)
    %mul3A_72 = arith.constant 1 : i32
    %mul3A_73 = arith.constant 8 : i32
    %mul3A_74 = arith.muli %mul3A_72, %mul3A_73 : i32
    %add3A_75 = arith.addi %mul3A_2, %mul3A_74 : i32
    %dma_start3A_76 = arith.constant 0 : i32
    %dma_start3A_77 = tpu.memref_slice %arg3[%add3A_75, %dma_start3A_76] : memref<4096x1024xf32, #tpu.memory_space<hbm>> -> memref<8x1024xf32, #tpu.memory_space<hbm>>
    %dma_start3A_78 = arith.constant 0 : i32
    %dma_start3A_79 = tpu.memref_slice %arg3[%add3A_75, %dma_start3A_78] : memref<4096x1024xf32, #tpu.memory_space<hbm>> -> memref<8x1024xf32, #tpu.memory_space<hbm>>
    tpu.enqueue_dma source(%dma_start3A_79 : memref<8x1024xf32, #tpu.memory_space<hbm>>) target(%arg14 : memref<8x1024xf32, #tpu.memory_space<vmem>>) target_semaphore(%arg32 : memref<!tpu.dma_semaphore, #tpu.memory_space<semaphore_mem>>)
    %scan3A = arith.constant 0 : i32
    %scan3A_80 = arith.constant 0 : i32
    %scan3A_81 = arith.constant 8 : i32
    %scan3A_82 = arith.addi %scan3A_80, %scan3A_81 : i32
    %scan3A_83 = arith.constant 1 : i32
    scf.for %scan3A_148 = %scan3A_80 to %scan3A_82 step %scan3A_83  : i32 {
      %mul3A_149 = arith.constant 8 : i32
      %mul3A_150 = arith.muli %mul3A_149, %scan3A_148 : i32
      %add3A_151 = arith.constant 0 : i32
      %add3A_152 = arith.addi %mul3A_150, %add3A_151 : i32
      %mul3A_153 = arith.constant 2 : i32
      %mul3A_154 = arith.muli %mul3A_153, %scan3A_148 : i32
      %add3A_155 = arith.constant 0 : i32
      %add3A_156 = arith.addi %mul3A_154, %add3A_155 : i32
      %mul3A_157 = arith.constant 8 : i32
      %mul3A_158 = arith.muli %add3A_156, %mul3A_157 : i32
      %add3A_159 = arith.addi %mul3A_2, %mul3A_158 : i32
      %dma_wait3A_160 = arith.constant 0 : i32
      %dma_wait3A_161 = tpu.memref_slice %arg3[%add3A_159, %dma_wait3A_160] : memref<4096x1024xf32, #tpu.memory_space<hbm>> -> memref<8x1024xf32, #tpu.memory_space<hbm>>
      %dma_wait3A_162 = arith.constant 0 : i32
      %dma_wait3A_163 = tpu.memref_slice %arg3[%add3A_159, %dma_wait3A_162] : memref<4096x1024xf32, #tpu.memory_space<hbm>> -> memref<8x1024xf32, #tpu.memory_space<hbm>>
      tpu.wait_dma2 semaphore(%arg31 : memref<!tpu.dma_semaphore, #tpu.memory_space<semaphore_mem>>) src(%dma_wait3A_163 : memref<8x1024xf32, #tpu.memory_space<hbm>>) dst(%arg13 : memref<8x1024xf32, #tpu.memory_space<vmem>>)
      %rem3A_164 = arith.constant 4 : i32
      %rem3A_165 = arith.remsi %add3A_152, %rem3A_164 : i32
      %mul3A_166 = arith.constant 4096 : i32
      %mul3A_167 = arith.muli %rem3A_165, %mul3A_166 : i32
      %add3A_168 = arith.addi %mul3A_167, %mul3A_2 : i32
      %div3A_169 = arith.constant 4 : i32
      %div3A_170 = arith.divsi %add3A_152, %div3A_169 : i32
      %mul3A_171 = arith.constant 8 : i32
      %mul3A_172 = arith.muli %div3A_170, %mul3A_171 : i32
      %add3A_173 = arith.addi %add3A_168, %mul3A_172 : i32
      %dma_wait3A_174 = arith.constant 0 : i32
      %dma_wait3A_175 = tpu.memref_slice %arg2[%add3A_173, %dma_wait3A_174] : memref<16384x1024xf32, #tpu.memory_space<hbm>> -> memref<8x1024xf32, #tpu.memory_space<hbm>>
      %dma_wait3A_176 = arith.constant 0 : i32
      %dma_wait3A_177 = tpu.memref_slice %arg2[%add3A_173, %dma_wait3A_176] : memref<16384x1024xf32, #tpu.memory_space<hbm>> -> memref<8x1024xf32, #tpu.memory_space<hbm>>
      tpu.wait_dma2 semaphore(%arg15 : memref<!tpu.dma_semaphore, #tpu.memory_space<semaphore_mem>>) src(%dma_wait3A_177 : memref<8x1024xf32, #tpu.memory_space<hbm>>) dst(%arg5 : memref<8x1024xf32, #tpu.memory_space<vmem>>)
      %scan3A_178 = arith.constant 0 : i32
      %scan3A_179 = arith.constant 0 : i32
      %scan3A_180 = arith.constant 64 : i32
      %scan3A_181 = arith.addi %scan3A_179, %scan3A_180 : i32
      %scan3A_182 = arith.constant 1 : i32
      scf.for %scan3A_620 = %scan3A_179 to %scan3A_181 step %scan3A_182  : i32 {
        %mul3A_621 = arith.constant 16 : i32
        %mul3A_622 = arith.muli %scan3A_620, %mul3A_621 : i32
        %get3A = arith.constant 0 : i32
        %get3A_623 = arith.index_cast %get3A : i32 to index
        %get3A_624 = arith.index_cast %mul3A_622 : i32 to index
        %get3A_625 = tpu.vector_load %arg13[%get3A_623, %get3A_624] {strides = array<i32>} : memref<8x1024xf32, #tpu.memory_space<vmem>>, vector<1x16xf32>,
        %get3A_626 = vector.shape_cast %get3A_625 : vector<1x16xf32> to vector<16xf32>
        %get3A_627 = arith.constant 1 : i32
        %get3A_628 = arith.index_cast %get3A_627 : i32 to index
        %get3A_629 = arith.index_cast %mul3A_622 : i32 to index
        %get3A_630 = tpu.vector_load %arg13[%get3A_628, %get3A_629] {strides = array<i32>} : memref<8x1024xf32, #tpu.memory_space<vmem>>, vector<1x16xf32>,
        %get3A_631 = vector.shape_cast %get3A_630 : vector<1x16xf32> to vector<16xf32>
        %get3A_632 = arith.constant 2 : i32
        %get3A_633 = arith.index_cast %get3A_632 : i32 to index
        %get3A_634 = arith.index_cast %mul3A_622 : i32 to index
        %get3A_635 = tpu.vector_load %arg13[%get3A_633, %get3A_634] {strides = array<i32>} : memref<8x1024xf32, #tpu.memory_space<vmem>>, vector<1x16xf32>,
        %get3A_636 = vector.shape_cast %get3A_635 : vector<1x16xf32> to vector<16xf32>
        %get3A_637 = arith.constant 3 : i32
        %get3A_638 = arith.index_cast %get3A_637 : i32 to index
        %get3A_639 = arith.index_cast %mul3A_622 : i32 to index
        %get3A_640 = tpu.vector_load %arg13[%get3A_638, %get3A_639] {strides = array<i32>} : memref<8x1024xf32, #tpu.memory_space<vmem>>, vector<1x16xf32>,
        %get3A_641 = vector.shape_cast %get3A_640 : vector<1x16xf32> to vector<16xf32>
        %get3A_642 = arith.constant 4 : i32
        %get3A_643 = arith.index_cast %get3A_642 : i32 to index
        %get3A_644 = arith.index_cast %mul3A_622 : i32 to index
        %get3A_645 = tpu.vector_load %arg13[%get3A_643, %get3A_644] {strides = array<i32>} : memref<8x1024xf32, #tpu.memory_space<vmem>>, vector<1x16xf32>,
        %get3A_646 = vector.shape_cast %get3A_645 : vector<1x16xf32> to vector<16xf32>
        %get3A_647 = arith.constant 5 : i32
        %get3A_648 = arith.index_cast %get3A_647 : i32 to index
        %get3A_649 = arith.index_cast %mul3A_622 : i32 to index
        %get3A_650 = tpu.vector_load %arg13[%get3A_648, %get3A_649] {strides = array<i32>} : memref<8x1024xf32, #tpu.memory_space<vmem>>, vector<1x16xf32>,
        %get3A_651 = vector.shape_cast %get3A_650 : vector<1x16xf32> to vector<16xf32>
        %get3A_652 = arith.constant 6 : i32
        %get3A_653 = arith.index_cast %get3A_652 : i32 to index
        %get3A_654 = arith.index_cast %mul3A_622 : i32 to index
        %get3A_655 = tpu.vector_load %arg13[%get3A_653, %get3A_654] {strides = array<i32>} : memref<8x1024xf32, #tpu.memory_space<vmem>>, vector<1x16xf32>,
        %get3A_656 = vector.shape_cast %get3A_655 : vector<1x16xf32> to vector<16xf32>
        %get3A_657 = arith.constant 7 : i32
        %get3A_658 = arith.index_cast %get3A_657 : i32 to index
        %get3A_659 = arith.index_cast %mul3A_622 : i32 to index
        %get3A_660 = tpu.vector_load %arg13[%get3A_658, %get3A_659] {strides = array<i32>} : memref<8x1024xf32, #tpu.memory_space<vmem>>, vector<1x16xf32>,
        %get3A_661 = vector.shape_cast %get3A_660 : vector<1x16xf32> to vector<16xf32>
        %swap3A = arith.constant 0 : i32
        %swap3A_662 = arith.index_cast %swap3A : i32 to index
        %swap3A_663 = arith.index_cast %mul3A_622 : i32 to index
        %swap3A_664 = tpu.vector_load %arg5[%swap3A_662, %swap3A_663] {strides = array<i32>} : memref<8x1024xf32, #tpu.memory_space<vmem>>, vector<1x16xf32>,
        %swap3A_665 = vector.shape_cast %swap3A_664 : vector<1x16xf32> to vector<16xf32>
        %swap3A_666 = vector.shape_cast %get3A_626 : vector<16xf32> to vector<1x16xf32>
        tpu.vector_store %arg5[%swap3A_662, %swap3A_663], %swap3A_666 {add = true, strides = array<i32>} : memref<8x1024xf32, #tpu.memory_space<vmem>>, vector<1x16xf32>,
        %swap3A_667 = arith.constant 1 : i32
        %swap3A_668 = arith.index_cast %swap3A_667 : i32 to index
        %swap3A_669 = arith.index_cast %mul3A_622 : i32 to index
        %swap3A_670 = tpu.vector_load %arg5[%swap3A_668, %swap3A_669] {strides = array<i32>} : memref<8x1024xf32, #tpu.memory_space<vmem>>, vector<1x16xf32>,
        %swap3A_671 = vector.shape_cast %swap3A_670 : vector<1x16xf32> to vector<16xf32>
        %swap3A_672 = vector.shape_cast %get3A_631 : vector<16xf32> to vector<1x16xf32>
        tpu.vector_store %arg5[%swap3A_668, %swap3A_669], %swap3A_672 {add = true, strides = array<i32>} : memref<8x1024xf32, #tpu.memory_space<vmem>>, vector<1x16xf32>,
        %swap3A_673 = arith.constant 2 : i32
        %swap3A_674 = arith.index_cast %swap3A_673 : i32 to index
        %swap3A_675 = arith.index_cast %mul3A_622 : i32 to index
        %swap3A_676 = tpu.vector_load %arg5[%swap3A_674, %swap3A_675] {strides = array<i32>} : memref<8x1024xf32, #tpu.memory_space<vmem>>, vector<1x16xf32>,
        %swap3A_677 = vector.shape_cast %swap3A_676 : vector<1x16xf32> to vector<16xf32>
        %swap3A_678 = vector.shape_cast %get3A_636 : vector<16xf32> to vector<1x16xf32>
        tpu.vector_store %arg5[%swap3A_674, %swap3A_675], %swap3A_678 {add = true, strides = array<i32>} : memref<8x1024xf32, #tpu.memory_space<vmem>>, vector<1x16xf32>,
        %swap3A_679 = arith.constant 3 : i32
        %swap3A_680 = arith.index_cast %swap3A_679 : i32 to index
        %swap3A_681 = arith.index_cast %mul3A_622 : i32 to index
        %swap3A_682 = tpu.vector_load %arg5[%swap3A_680, %swap3A_681] {strides = array<i32>} : memref<8x1024xf32, #tpu.memory_space<vmem>>, vector<1x16xf32>,
        %swap3A_683 = vector.shape_cast %swap3A_682 : vector<1x16xf32> to vector<16xf32>
        %swap3A_684 = vector.shape_cast %get3A_641 : vector<16xf32> to vector<1x16xf32>
        tpu.vector_store %arg5[%swap3A_680, %swap3A_681], %swap3A_684 {add = true, strides = array<i32>} : memref<8x1024xf32, #tpu.memory_space<vmem>>, vector<1x16xf32>,
        %swap3A_685 = arith.constant 4 : i32
        %swap3A_686 = arith.index_cast %swap3A_685 : i32 to index
        %swap3A_687 = arith.index_cast %mul3A_622 : i32 to index
        %swap3A_688 = tpu.vector_load %arg5[%swap3A_686, %swap3A_687] {strides = array<i32>} : memref<8x1024xf32, #tpu.memory_space<vmem>>, vector<1x16xf32>,
        %swap3A_689 = vector.shape_cast %swap3A_688 : vector<1x16xf32> to vector<16xf32>
        %swap3A_690 = vector.shape_cast %get3A_646 : vector<16xf32> to vector<1x16xf32>
        tpu.vector_store %arg5[%swap3A_686, %swap3A_687], %swap3A_690 {add = true, strides = array<i32>} : memref<8x1024xf32, #tpu.memory_space<vmem>>, vector<1x16xf32>,
        %swap3A_691 = arith.constant 5 : i32
        %swap3A_692 = arith.index_cast %swap3A_691 : i32 to index
        %swap3A_693 = arith.index_cast %mul3A_622 : i32 to index
        %swap3A_694 = tpu.vector_load %arg5[%swap3A_692, %swap3A_693] {strides = array<i32>} : memref<8x1024xf32, #tpu.memory_space<vmem>>, vector<1x16xf32>,
        %swap3A_695 = vector.shape_cast %swap3A_694 : vector<1x16xf32> to vector<16xf32>
        %swap3A_696 = vector.shape_cast %get3A_651 : vector<16xf32> to vector<1x16xf32>
        tpu.vector_store %arg5[%swap3A_692, %swap3A_693], %swap3A_696 {add = true, strides = array<i32>} : memref<8x1024xf32, #tpu.memory_space<vmem>>, vector<1x16xf32>,
        %swap3A_697 = arith.constant 6 : i32
        %swap3A_698 = arith.index_cast %swap3A_697 : i32 to index
        %swap3A_699 = arith.index_cast %mul3A_622 : i32 to index
        %swap3A_700 = tpu.vector_load %arg5[%swap3A_698, %swap3A_699] {strides = array<i32>} : memref<8x1024xf32, #tpu.memory_space<vmem>>, vector<1x16xf32>,
        %swap3A_701 = vector.shape_cast %swap3A_700 : vector<1x16xf32> to vector<16xf32>
        %swap3A_702 = vector.shape_cast %get3A_656 : vector<16xf32> to vector<1x16xf32>
        tpu.vector_store %arg5[%swap3A_698, %swap3A_699], %swap3A_702 {add = true, strides = array<i32>} : memref<8x1024xf32, #tpu.memory_space<vmem>>, vector<1x16xf32>,
        %swap3A_703 = arith.constant 7 : i32
        %swap3A_704 = arith.index_cast %swap3A_703 : i32 to index
        %swap3A_705 = arith.index_cast %mul3A_622 : i32 to index
        %swap3A_706 = tpu.vector_load %arg5[%swap3A_704, %swap3A_705] {strides = array<i32>} : memref<8x1024xf32, #tpu.memory_space<vmem>>, vector<1x16xf32>,
        %swap3A_707 = vector.shape_cast %swap3A_706 : vector<1x16xf32> to vector<16xf32>
        %swap3A_708 = vector.shape_cast %get3A_661 : vector<16xf32> to vector<1x16xf32>
        tpu.vector_store %arg5[%swap3A_704, %swap3A_705], %swap3A_708 {add = true, strides = array<i32>} : memref<8x1024xf32, #tpu.memory_space<vmem>>, vector<1x16xf32>,
      }
      %scan3A_183 = arith.constant 64 : i32
      %rem3A_184 = arith.constant 4 : i32
      %rem3A_185 = arith.remsi %add3A_152, %rem3A_184 : i32
      %mul3A_186 = arith.constant 4096 : i32
      %mul3A_187 = arith.muli %rem3A_185, %mul3A_186 : i32
      %add3A_188 = arith.addi %mul3A_187, %mul3A_2 : i32
      %div3A_189 = arith.constant 4 : i32
      %div3A_190 = arith.divsi %add3A_152, %div3A_189 : i32
      %mul3A_191 = arith.constant 8 : i32
      %mul3A_192 = arith.muli %div3A_190, %mul3A_191 : i32
      %add3A_193 = arith.addi %add3A_188, %mul3A_192 : i32
      %dma_start3A_194 = arith.constant 0 : i32
      %dma_start3A_195 = tpu.memref_slice %arg4[%add3A_193, %dma_start3A_194] : memref<16384x1024xf32, #tpu.memory_space<hbm>> -> memref<8x1024xf32, #tpu.memory_space<hbm>>
      %dma_start3A_196 = arith.constant 0 : i32
      %dma_start3A_197 = tpu.memref_slice %arg4[%add3A_193, %dma_start3A_196] : memref<16384x1024xf32, #tpu.memory_space<hbm>> -> memref<8x1024xf32, #tpu.memory_space<hbm>>
      tpu.enqueue_dma source(%arg5 : memref<8x1024xf32, #tpu.memory_space<vmem>>) target(%dma_start3A_197 : memref<8x1024xf32, #tpu.memory_space<hbm>>) target_semaphore(%arg23 : memref<!tpu.dma_semaphore, #tpu.memory_space<semaphore_mem>>)
      %sub3A = arith.constant 4 : i32
      %sub3A_198 = arith.subi %add3A_152, %sub3A : i32
      %add3A_199 = arith.constant 4 : i32
      %add3A_200 = arith.addi %add3A_152, %add3A_199 : i32
      %ge3A = arith.constant 0 : i32
      %ge3A_201 = arith.cmpi sge, %sub3A_198, %ge3A : i32
      %convert_element_type3A = arith.extui %ge3A_201 : i1 to i32
      %cond3A = arith.constant 0 : i32
      %cond3A_202 = arith.cmpi ne, %convert_element_type3A, %cond3A : i32
      scf.if %cond3A_202 {
        %rem3A_620 = arith.constant 4 : i32
        %rem3A_621 = arith.remsi %sub3A_198, %rem3A_620 : i32
        %mul3A_622 = arith.constant 4096 : i32
        %mul3A_623 = arith.muli %rem3A_621, %mul3A_622 : i32
        %add3A_624 = arith.addi %mul3A_623, %mul3A_2 : i32
        %div3A_625 = arith.constant 4 : i32
        %div3A_626 = arith.divsi %sub3A_198, %div3A_625 : i32
        %mul3A_627 = arith.constant 8 : i32
        %mul3A_628 = arith.muli %div3A_626, %mul3A_627 : i32
        %add3A_629 = arith.addi %add3A_624, %mul3A_628 : i32
        %dma_wait3A_630 = arith.constant 0 : i32
        %dma_wait3A_631 = tpu.memref_slice %arg4[%add3A_629, %dma_wait3A_630] : memref<16384x1024xf32, #tpu.memory_space<hbm>> -> memref<8x1024xf32, #tpu.memory_space<hbm>>
        %dma_wait3A_632 = arith.constant 0 : i32
        %dma_wait3A_633 = tpu.memref_slice %arg4[%add3A_629, %dma_wait3A_632] : memref<16384x1024xf32, #tpu.memory_space<hbm>> -> memref<8x1024xf32, #tpu.memory_space<hbm>>
        tpu.wait_dma2 semaphore(%arg27 : memref<!tpu.dma_semaphore, #tpu.memory_space<semaphore_mem>>) src(%arg9 : memref<8x1024xf32, #tpu.memory_space<vmem>>) dst(%dma_wait3A_633 : memref<8x1024xf32, #tpu.memory_space<hbm>>)
      } else {
      }
      %lt3A = arith.constant 64 : i32
      %lt3A_203 = arith.cmpi slt, %add3A_200, %lt3A : i32
      %convert_element_type3A_204 = arith.extui %lt3A_203 : i1 to i32
      %cond3A_205 = arith.constant 0 : i32
      %cond3A_206 = arith.cmpi ne, %convert_element_type3A_204, %cond3A_205 : i32
      scf.if %cond3A_206 {
        %rem3A_620 = arith.constant 4 : i32
        %rem3A_621 = arith.remsi %add3A_200, %rem3A_620 : i32
        %mul3A_622 = arith.constant 4096 : i32
        %mul3A_623 = arith.muli %rem3A_621, %mul3A_622 : i32
        %add3A_624 = arith.addi %mul3A_623, %mul3A_2 : i32
        %div3A_625 = arith.constant 4 : i32
        %div3A_626 = arith.divsi %add3A_200, %div3A_625 : i32
        %mul3A_627 = arith.constant 8 : i32
        %mul3A_628 = arith.muli %div3A_626, %mul3A_627 : i32
        %add3A_629 = arith.addi %add3A_624, %mul3A_628 : i32
        %dma_start3A_630 = arith.constant 0 : i32
        %dma_start3A_631 = tpu.memref_slice %arg2[%add3A_629, %dma_start3A_630] : memref<16384x1024xf32, #tpu.memory_space<hbm>> -> memref<8x1024xf32, #tpu.memory_space<hbm>>
        %dma_start3A_632 = arith.constant 0 : i32
        %dma_start3A_633 = tpu.memref_slice %arg2[%add3A_629, %dma_start3A_632] : memref<16384x1024xf32, #tpu.memory_space<hbm>> -> memref<8x1024xf32, #tpu.memory_space<hbm>>
        tpu.enqueue_dma source(%dma_start3A_633 : memref<8x1024xf32, #tpu.memory_space<hbm>>) target(%arg9 : memref<8x1024xf32, #tpu.memory_space<vmem>>) target_semaphore(%arg19 : memref<!tpu.dma_semaphore, #tpu.memory_space<semaphore_mem>>)
      } else {
      }
      %mul3A_207 = arith.constant 8 : i32
      %mul3A_208 = arith.muli %mul3A_207, %scan3A_148 : i32
      %add3A_209 = arith.constant 1 : i32
      %add3A_210 = arith.addi %mul3A_208, %add3A_209 : i32
      %mul3A_211 = arith.constant 2 : i32
      %mul3A_212 = arith.muli %mul3A_211, %scan3A_148 : i32
      %add3A_213 = arith.constant 0 : i32
      %add3A_214 = arith.addi %mul3A_212, %add3A_213 : i32
      %rem3A_215 = arith.constant 4 : i32
      %rem3A_216 = arith.remsi %add3A_210, %rem3A_215 : i32
      %mul3A_217 = arith.constant 4096 : i32
      %mul3A_218 = arith.muli %rem3A_216, %mul3A_217 : i32
      %add3A_219 = arith.addi %mul3A_218, %mul3A_2 : i32
      %div3A_220 = arith.constant 4 : i32
      %div3A_221 = arith.divsi %add3A_210, %div3A_220 : i32
      %mul3A_222 = arith.constant 8 : i32
      %mul3A_223 = arith.muli %div3A_221, %mul3A_222 : i32
      %add3A_224 = arith.addi %add3A_219, %mul3A_223 : i32
      %dma_wait3A_225 = arith.constant 0 : i32
      %dma_wait3A_226 = tpu.memref_slice %arg2[%add3A_224, %dma_wait3A_225] : memref<16384x1024xf32, #tpu.memory_space<hbm>> -> memref<8x1024xf32, #tpu.memory_space<hbm>>
      %dma_wait3A_227 = arith.constant 0 : i32
      %dma_wait3A_228 = tpu.memref_slice %arg2[%add3A_224, %dma_wait3A_227] : memref<16384x1024xf32, #tpu.memory_space<hbm>> -> memref<8x1024xf32, #tpu.memory_space<hbm>>
      tpu.wait_dma2 semaphore(%arg16 : memref<!tpu.dma_semaphore, #tpu.memory_space<semaphore_mem>>) src(%dma_wait3A_228 : memref<8x1024xf32, #tpu.memory_space<hbm>>) dst(%arg6 : memref<8x1024xf32, #tpu.memory_space<vmem>>)
      %scan3A_229 = arith.constant 0 : i32
      %scan3A_230 = arith.constant 0 : i32
      %scan3A_231 = arith.constant 64 : i32
      %scan3A_232 = arith.addi %scan3A_230, %scan3A_231 : i32
      %scan3A_233 = arith.constant 1 : i32
      scf.for %scan3A_620 = %scan3A_230 to %scan3A_232 step %scan3A_233  : i32 {
        %mul3A_621 = arith.constant 16 : i32
        %mul3A_622 = arith.muli %scan3A_620, %mul3A_621 : i32
        %get3A = arith.constant 0 : i32
        %get3A_623 = arith.index_cast %get3A : i32 to index
        %get3A_624 = arith.index_cast %mul3A_622 : i32 to index
        %get3A_625 = tpu.vector_load %arg13[%get3A_623, %get3A_624] {strides = array<i32>} : memref<8x1024xf32, #tpu.memory_space<vmem>>, vector<1x16xf32>,
        %get3A_626 = vector.shape_cast %get3A_625 : vector<1x16xf32> to vector<16xf32>
        %get3A_627 = arith.constant 1 : i32
        %get3A_628 = arith.index_cast %get3A_627 : i32 to index
        %get3A_629 = arith.index_cast %mul3A_622 : i32 to index
        %get3A_630 = tpu.vector_load %arg13[%get3A_628, %get3A_629] {strides = array<i32>} : memref<8x1024xf32, #tpu.memory_space<vmem>>, vector<1x16xf32>,
        %get3A_631 = vector.shape_cast %get3A_630 : vector<1x16xf32> to vector<16xf32>
        %get3A_632 = arith.constant 2 : i32
        %get3A_633 = arith.index_cast %get3A_632 : i32 to index
        %get3A_634 = arith.index_cast %mul3A_622 : i32 to index
        %get3A_635 = tpu.vector_load %arg13[%get3A_633, %get3A_634] {strides = array<i32>} : memref<8x1024xf32, #tpu.memory_space<vmem>>, vector<1x16xf32>,
        %get3A_636 = vector.shape_cast %get3A_635 : vector<1x16xf32> to vector<16xf32>
        %get3A_637 = arith.constant 3 : i32
        %get3A_638 = arith.index_cast %get3A_637 : i32 to index
        %get3A_639 = arith.index_cast %mul3A_622 : i32 to index
        %get3A_640 = tpu.vector_load %arg13[%get3A_638, %get3A_639] {strides = array<i32>} : memref<8x1024xf32, #tpu.memory_space<vmem>>, vector<1x16xf32>,
        %get3A_641 = vector.shape_cast %get3A_640 : vector<1x16xf32> to vector<16xf32>
        %get3A_642 = arith.constant 4 : i32
        %get3A_643 = arith.index_cast %get3A_642 : i32 to index
        %get3A_644 = arith.index_cast %mul3A_622 : i32 to index
        %get3A_645 = tpu.vector_load %arg13[%get3A_643, %get3A_644] {strides = array<i32>} : memref<8x1024xf32, #tpu.memory_space<vmem>>, vector<1x16xf32>,
        %get3A_646 = vector.shape_cast %get3A_645 : vector<1x16xf32> to vector<16xf32>
        %get3A_647 = arith.constant 5 : i32
        %get3A_648 = arith.index_cast %get3A_647 : i32 to index
        %get3A_649 = arith.index_cast %mul3A_622 : i32 to index
        %get3A_650 = tpu.vector_load %arg13[%get3A_648, %get3A_649] {strides = array<i32>} : memref<8x1024xf32, #tpu.memory_space<vmem>>, vector<1x16xf32>,
        %get3A_651 = vector.shape_cast %get3A_650 : vector<1x16xf32> to vector<16xf32>
        %get3A_652 = arith.constant 6 : i32
        %get3A_653 = arith.index_cast %get3A_652 : i32 to index
        %get3A_654 = arith.index_cast %mul3A_622 : i32 to index
        %get3A_655 = tpu.vector_load %arg13[%get3A_653, %get3A_654] {strides = array<i32>} : memref<8x1024xf32, #tpu.memory_space<vmem>>, vector<1x16xf32>,
        %get3A_656 = vector.shape_cast %get3A_655 : vector<1x16xf32> to vector<16xf32>
        %get3A_657 = arith.constant 7 : i32
        %get3A_658 = arith.index_cast %get3A_657 : i32 to index
        %get3A_659 = arith.index_cast %mul3A_622 : i32 to index
        %get3A_660 = tpu.vector_load %arg13[%get3A_658, %get3A_659] {strides = array<i32>} : memref<8x1024xf32, #tpu.memory_space<vmem>>, vector<1x16xf32>,
        %get3A_661 = vector.shape_cast %get3A_660 : vector<1x16xf32> to vector<16xf32>
        %swap3A = arith.constant 0 : i32
        %swap3A_662 = arith.index_cast %swap3A : i32 to index
        %swap3A_663 = arith.index_cast %mul3A_622 : i32 to index
        %swap3A_664 = tpu.vector_load %arg6[%swap3A_662, %swap3A_663] {strides = array<i32>} : memref<8x1024xf32, #tpu.memory_space<vmem>>, vector<1x16xf32>,
        %swap3A_665 = vector.shape_cast %swap3A_664 : vector<1x16xf32> to vector<16xf32>
        %swap3A_666 = vector.shape_cast %get3A_626 : vector<16xf32> to vector<1x16xf32>
        tpu.vector_store %arg6[%swap3A_662, %swap3A_663], %swap3A_666 {add = true, strides = array<i32>} : memref<8x1024xf32, #tpu.memory_space<vmem>>, vector<1x16xf32>,
        %swap3A_667 = arith.constant 1 : i32
        %swap3A_668 = arith.index_cast %swap3A_667 : i32 to index
        %swap3A_669 = arith.index_cast %mul3A_622 : i32 to index
        %swap3A_670 = tpu.vector_load %arg6[%swap3A_668, %swap3A_669] {strides = array<i32>} : memref<8x1024xf32, #tpu.memory_space<vmem>>, vector<1x16xf32>,
        %swap3A_671 = vector.shape_cast %swap3A_670 : vector<1x16xf32> to vector<16xf32>
        %swap3A_672 = vector.shape_cast %get3A_631 : vector<16xf32> to vector<1x16xf32>
        tpu.vector_store %arg6[%swap3A_668, %swap3A_669], %swap3A_672 {add = true, strides = array<i32>} : memref<8x1024xf32, #tpu.memory_space<vmem>>, vector<1x16xf32>,
        %swap3A_673 = arith.constant 2 : i32
        %swap3A_674 = arith.index_cast %swap3A_673 : i32 to index
        %swap3A_675 = arith.index_cast %mul3A_622 : i32 to index
        %swap3A_676 = tpu.vector_load %arg6[%swap3A_674, %swap3A_675] {strides = array<i32>} : memref<8x1024xf32, #tpu.memory_space<vmem>>, vector<1x16xf32>,
        %swap3A_677 = vector.shape_cast %swap3A_676 : vector<1x16xf32> to vector<16xf32>
        %swap3A_678 = vector.shape_cast %get3A_636 : vector<16xf32> to vector<1x16xf32>
        tpu.vector_store %arg6[%swap3A_674, %swap3A_675], %swap3A_678 {add = true, strides = array<i32>} : memref<8x1024xf32, #tpu.memory_space<vmem>>, vector<1x16xf32>,
        %swap3A_679 = arith.constant 3 : i32
        %swap3A_680 = arith.index_cast %swap3A_679 : i32 to index
        %swap3A_681 = arith.index_cast %mul3A_622 : i32 to index
        %swap3A_682 = tpu.vector_load %arg6[%swap3A_680, %swap3A_681] {strides = array<i32>} : memref<8x1024xf32, #tpu.memory_space<vmem>>, vector<1x16xf32>,
        %swap3A_683 = vector.shape_cast %swap3A_682 : vector<1x16xf32> to vector<16xf32>
        %swap3A_684 = vector.shape_cast %get3A_641 : vector<16xf32> to vector<1x16xf32>
        tpu.vector_store %arg6[%swap3A_680, %swap3A_681], %swap3A_684 {add = true, strides = array<i32>} : memref<8x1024xf32, #tpu.memory_space<vmem>>, vector<1x16xf32>,
        %swap3A_685 = arith.constant 4 : i32
        %swap3A_686 = arith.index_cast %swap3A_685 : i32 to index
        %swap3A_687 = arith.index_cast %mul3A_622 : i32 to index
        %swap3A_688 = tpu.vector_load %arg6[%swap3A_686, %swap3A_687] {strides = array<i32>} : memref<8x1024xf32, #tpu.memory_space<vmem>>, vector<1x16xf32>,
        %swap3A_689 = vector.shape_cast %swap3A_688 : vector<1x16xf32> to vector<16xf32>
        %swap3A_690 = vector.shape_cast %get3A_646 : vector<16xf32> to vector<1x16xf32>
        tpu.vector_store %arg6[%swap3A_686, %swap3A_687], %swap3A_690 {add = true, strides = array<i32>} : memref<8x1024xf32, #tpu.memory_space<vmem>>, vector<1x16xf32>,
        %swap3A_691 = arith.constant 5 : i32
        %swap3A_692 = arith.index_cast %swap3A_691 : i32 to index
        %swap3A_693 = arith.index_cast %mul3A_622 : i32 to index
        %swap3A_694 = tpu.vector_load %arg6[%swap3A_692, %swap3A_693] {strides = array<i32>} : memref<8x1024xf32, #tpu.memory_space<vmem>>, vector<1x16xf32>,
        %swap3A_695 = vector.shape_cast %swap3A_694 : vector<1x16xf32> to vector<16xf32>
        %swap3A_696 = vector.shape_cast %get3A_651 : vector<16xf32> to vector<1x16xf32>
        tpu.vector_store %arg6[%swap3A_692, %swap3A_693], %swap3A_696 {add = true, strides = array<i32>} : memref<8x1024xf32, #tpu.memory_space<vmem>>, vector<1x16xf32>,
        %swap3A_697 = arith.constant 6 : i32
        %swap3A_698 = arith.index_cast %swap3A_697 : i32 to index
        %swap3A_699 = arith.index_cast %mul3A_622 : i32 to index
        %swap3A_700 = tpu.vector_load %arg6[%swap3A_698, %swap3A_699] {strides = array<i32>} : memref<8x1024xf32, #tpu.memory_space<vmem>>, vector<1x16xf32>,
        %swap3A_701 = vector.shape_cast %swap3A_700 : vector<1x16xf32> to vector<16xf32>
        %swap3A_702 = vector.shape_cast %get3A_656 : vector<16xf32> to vector<1x16xf32>
        tpu.vector_store %arg6[%swap3A_698, %swap3A_699], %swap3A_702 {add = true, strides = array<i32>} : memref<8x1024xf32, #tpu.memory_space<vmem>>, vector<1x16xf32>,
        %swap3A_703 = arith.constant 7 : i32
        %swap3A_704 = arith.index_cast %swap3A_703 : i32 to index
        %swap3A_705 = arith.index_cast %mul3A_622 : i32 to index
        %swap3A_706 = tpu.vector_load %arg6[%swap3A_704, %swap3A_705] {strides = array<i32>} : memref<8x1024xf32, #tpu.memory_space<vmem>>, vector<1x16xf32>,
        %swap3A_707 = vector.shape_cast %swap3A_706 : vector<1x16xf32> to vector<16xf32>
        %swap3A_708 = vector.shape_cast %get3A_661 : vector<16xf32> to vector<1x16xf32>
        tpu.vector_store %arg6[%swap3A_704, %swap3A_705], %swap3A_708 {add = true, strides = array<i32>} : memref<8x1024xf32, #tpu.memory_space<vmem>>, vector<1x16xf32>,
      }
      %scan3A_234 = arith.constant 64 : i32
      %rem3A_235 = arith.constant 4 : i32
      %rem3A_236 = arith.remsi %add3A_210, %rem3A_235 : i32
      %mul3A_237 = arith.constant 4096 : i32
      %mul3A_238 = arith.muli %rem3A_236, %mul3A_237 : i32
      %add3A_239 = arith.addi %mul3A_238, %mul3A_2 : i32
      %div3A_240 = arith.constant 4 : i32
      %div3A_241 = arith.divsi %add3A_210, %div3A_240 : i32
      %mul3A_242 = arith.constant 8 : i32
      %mul3A_243 = arith.muli %div3A_241, %mul3A_242 : i32
      %add3A_244 = arith.addi %add3A_239, %mul3A_243 : i32
      %dma_start3A_245 = arith.constant 0 : i32
      %dma_start3A_246 = tpu.memref_slice %arg4[%add3A_244, %dma_start3A_245] : memref<16384x1024xf32, #tpu.memory_space<hbm>> -> memref<8x1024xf32, #tpu.memory_space<hbm>>
      %dma_start3A_247 = arith.constant 0 : i32
      %dma_start3A_248 = tpu.memref_slice %arg4[%add3A_244, %dma_start3A_247] : memref<16384x1024xf32, #tpu.memory_space<hbm>> -> memref<8x1024xf32, #tpu.memory_space<hbm>>
      tpu.enqueue_dma source(%arg6 : memref<8x1024xf32, #tpu.memory_space<vmem>>) target(%dma_start3A_248 : memref<8x1024xf32, #tpu.memory_space<hbm>>) target_semaphore(%arg24 : memref<!tpu.dma_semaphore, #tpu.memory_space<semaphore_mem>>)
      %sub3A_249 = arith.constant 4 : i32
      %sub3A_250 = arith.subi %add3A_210, %sub3A_249 : i32
      %add3A_251 = arith.constant 4 : i32
      %add3A_252 = arith.addi %add3A_210, %add3A_251 : i32
      %ge3A_253 = arith.constant 0 : i32
      %ge3A_254 = arith.cmpi sge, %sub3A_250, %ge3A_253 : i32
      %convert_element_type3A_255 = arith.extui %ge3A_254 : i1 to i32
      %cond3A_256 = arith.constant 0 : i32
      %cond3A_257 = arith.cmpi ne, %convert_element_type3A_255, %cond3A_256 : i32
      scf.if %cond3A_257 {
        %rem3A_620 = arith.constant 4 : i32
        %rem3A_621 = arith.remsi %sub3A_250, %rem3A_620 : i32
        %mul3A_622 = arith.constant 4096 : i32
        %mul3A_623 = arith.muli %rem3A_621, %mul3A_622 : i32
        %add3A_624 = arith.addi %mul3A_623, %mul3A_2 : i32
        %div3A_625 = arith.constant 4 : i32
        %div3A_626 = arith.divsi %sub3A_250, %div3A_625 : i32
        %mul3A_627 = arith.constant 8 : i32
        %mul3A_628 = arith.muli %div3A_626, %mul3A_627 : i32
        %add3A_629 = arith.addi %add3A_624, %mul3A_628 : i32
        %dma_wait3A_630 = arith.constant 0 : i32
        %dma_wait3A_631 = tpu.memref_slice %arg4[%add3A_629, %dma_wait3A_630] : memref<16384x1024xf32, #tpu.memory_space<hbm>> -> memref<8x1024xf32, #tpu.memory_space<hbm>>
        %dma_wait3A_632 = arith.constant 0 : i32
        %dma_wait3A_633 = tpu.memref_slice %arg4[%add3A_629, %dma_wait3A_632] : memref<16384x1024xf32, #tpu.memory_space<hbm>> -> memref<8x1024xf32, #tpu.memory_space<hbm>>
        tpu.wait_dma2 semaphore(%arg28 : memref<!tpu.dma_semaphore, #tpu.memory_space<semaphore_mem>>) src(%arg10 : memref<8x1024xf32, #tpu.memory_space<vmem>>) dst(%dma_wait3A_633 : memref<8x1024xf32, #tpu.memory_space<hbm>>)
      } else {
      }
      %lt3A_258 = arith.constant 64 : i32
      %lt3A_259 = arith.cmpi slt, %add3A_252, %lt3A_258 : i32
      %convert_element_type3A_260 = arith.extui %lt3A_259 : i1 to i32
      %cond3A_261 = arith.constant 0 : i32
      %cond3A_262 = arith.cmpi ne, %convert_element_type3A_260, %cond3A_261 : i32
      scf.if %cond3A_262 {
        %rem3A_620 = arith.constant 4 : i32
        %rem3A_621 = arith.remsi %add3A_252, %rem3A_620 : i32
        %mul3A_622 = arith.constant 4096 : i32
        %mul3A_623 = arith.muli %rem3A_621, %mul3A_622 : i32
        %add3A_624 = arith.addi %mul3A_623, %mul3A_2 : i32
        %div3A_625 = arith.constant 4 : i32
        %div3A_626 = arith.divsi %add3A_252, %div3A_625 : i32
        %mul3A_627 = arith.constant 8 : i32
        %mul3A_628 = arith.muli %div3A_626, %mul3A_627 : i32
        %add3A_629 = arith.addi %add3A_624, %mul3A_628 : i32
        %dma_start3A_630 = arith.constant 0 : i32
        %dma_start3A_631 = tpu.memref_slice %arg2[%add3A_629, %dma_start3A_630] : memref<16384x1024xf32, #tpu.memory_space<hbm>> -> memref<8x1024xf32, #tpu.memory_space<hbm>>
        %dma_start3A_632 = arith.constant 0 : i32
        %dma_start3A_633 = tpu.memref_slice %arg2[%add3A_629, %dma_start3A_632] : memref<16384x1024xf32, #tpu.memory_space<hbm>> -> memref<8x1024xf32, #tpu.memory_space<hbm>>
        tpu.enqueue_dma source(%dma_start3A_633 : memref<8x1024xf32, #tpu.memory_space<hbm>>) target(%arg10 : memref<8x1024xf32, #tpu.memory_space<vmem>>) target_semaphore(%arg20 : memref<!tpu.dma_semaphore, #tpu.memory_space<semaphore_mem>>)
      } else {
      }
      %mul3A_263 = arith.constant 8 : i32
      %mul3A_264 = arith.muli %mul3A_263, %scan3A_148 : i32
      %add3A_265 = arith.constant 2 : i32
      %add3A_266 = arith.addi %mul3A_264, %add3A_265 : i32
      %mul3A_267 = arith.constant 2 : i32
      %mul3A_268 = arith.muli %mul3A_267, %scan3A_148 : i32
      %add3A_269 = arith.constant 0 : i32
      %add3A_270 = arith.addi %mul3A_268, %add3A_269 : i32
      %rem3A_271 = arith.constant 4 : i32
      %rem3A_272 = arith.remsi %add3A_266, %rem3A_271 : i32
      %mul3A_273 = arith.constant 4096 : i32
      %mul3A_274 = arith.muli %rem3A_272, %mul3A_273 : i32
      %add3A_275 = arith.addi %mul3A_274, %mul3A_2 : i32
      %div3A_276 = arith.constant 4 : i32
      %div3A_277 = arith.divsi %add3A_266, %div3A_276 : i32
      %mul3A_278 = arith.constant 8 : i32
      %mul3A_279 = arith.muli %div3A_277, %mul3A_278 : i32
      %add3A_280 = arith.addi %add3A_275, %mul3A_279 : i32
      %dma_wait3A_281 = arith.constant 0 : i32
      %dma_wait3A_282 = tpu.memref_slice %arg2[%add3A_280, %dma_wait3A_281] : memref<16384x1024xf32, #tpu.memory_space<hbm>> -> memref<8x1024xf32, #tpu.memory_space<hbm>>
      %dma_wait3A_283 = arith.constant 0 : i32
      %dma_wait3A_284 = tpu.memref_slice %arg2[%add3A_280, %dma_wait3A_283] : memref<16384x1024xf32, #tpu.memory_space<hbm>> -> memref<8x1024xf32, #tpu.memory_space<hbm>>
      tpu.wait_dma2 semaphore(%arg17 : memref<!tpu.dma_semaphore, #tpu.memory_space<semaphore_mem>>) src(%dma_wait3A_284 : memref<8x1024xf32, #tpu.memory_space<hbm>>) dst(%arg7 : memref<8x1024xf32, #tpu.memory_space<vmem>>)
      %scan3A_285 = arith.constant 0 : i32
      %scan3A_286 = arith.constant 0 : i32
      %scan3A_287 = arith.constant 64 : i32
      %scan3A_288 = arith.addi %scan3A_286, %scan3A_287 : i32
      %scan3A_289 = arith.constant 1 : i32
      scf.for %scan3A_620 = %scan3A_286 to %scan3A_288 step %scan3A_289  : i32 {
        %mul3A_621 = arith.constant 16 : i32
        %mul3A_622 = arith.muli %scan3A_620, %mul3A_621 : i32
        %get3A = arith.constant 0 : i32
        %get3A_623 = arith.index_cast %get3A : i32 to index
        %get3A_624 = arith.index_cast %mul3A_622 : i32 to index
        %get3A_625 = tpu.vector_load %arg13[%get3A_623, %get3A_624] {strides = array<i32>} : memref<8x1024xf32, #tpu.memory_space<vmem>>, vector<1x16xf32>,
        %get3A_626 = vector.shape_cast %get3A_625 : vector<1x16xf32> to vector<16xf32>
        %get3A_627 = arith.constant 1 : i32
        %get3A_628 = arith.index_cast %get3A_627 : i32 to index
        %get3A_629 = arith.index_cast %mul3A_622 : i32 to index
        %get3A_630 = tpu.vector_load %arg13[%get3A_628, %get3A_629] {strides = array<i32>} : memref<8x1024xf32, #tpu.memory_space<vmem>>, vector<1x16xf32>,
        %get3A_631 = vector.shape_cast %get3A_630 : vector<1x16xf32> to vector<16xf32>
        %get3A_632 = arith.constant 2 : i32
        %get3A_633 = arith.index_cast %get3A_632 : i32 to index
        %get3A_634 = arith.index_cast %mul3A_622 : i32 to index
        %get3A_635 = tpu.vector_load %arg13[%get3A_633, %get3A_634] {strides = array<i32>} : memref<8x1024xf32, #tpu.memory_space<vmem>>, vector<1x16xf32>,
        %get3A_636 = vector.shape_cast %get3A_635 : vector<1x16xf32> to vector<16xf32>
        %get3A_637 = arith.constant 3 : i32
        %get3A_638 = arith.index_cast %get3A_637 : i32 to index
        %get3A_639 = arith.index_cast %mul3A_622 : i32 to index
        %get3A_640 = tpu.vector_load %arg13[%get3A_638, %get3A_639] {strides = array<i32>} : memref<8x1024xf32, #tpu.memory_space<vmem>>, vector<1x16xf32>,
        %get3A_641 = vector.shape_cast %get3A_640 : vector<1x16xf32> to vector<16xf32>
        %get3A_642 = arith.constant 4 : i32
        %get3A_643 = arith.index_cast %get3A_642 : i32 to index
        %get3A_644 = arith.index_cast %mul3A_622 : i32 to index
        %get3A_645 = tpu.vector_load %arg13[%get3A_643, %get3A_644] {strides = array<i32>} : memref<8x1024xf32, #tpu.memory_space<vmem>>, vector<1x16xf32>,
        %get3A_646 = vector.shape_cast %get3A_645 : vector<1x16xf32> to vector<16xf32>
        %get3A_647 = arith.constant 5 : i32
        %get3A_648 = arith.index_cast %get3A_647 : i32 to index
        %get3A_649 = arith.index_cast %mul3A_622 : i32 to index
        %get3A_650 = tpu.vector_load %arg13[%get3A_648, %get3A_649] {strides = array<i32>} : memref<8x1024xf32, #tpu.memory_space<vmem>>, vector<1x16xf32>,
        %get3A_651 = vector.shape_cast %get3A_650 : vector<1x16xf32> to vector<16xf32>
        %get3A_652 = arith.constant 6 : i32
        %get3A_653 = arith.index_cast %get3A_652 : i32 to index
        %get3A_654 = arith.index_cast %mul3A_622 : i32 to index
        %get3A_655 = tpu.vector_load %arg13[%get3A_653, %get3A_654] {strides = array<i32>} : memref<8x1024xf32, #tpu.memory_space<vmem>>, vector<1x16xf32>,
        %get3A_656 = vector.shape_cast %get3A_655 : vector<1x16xf32> to vector<16xf32>
        %get3A_657 = arith.constant 7 : i32
        %get3A_658 = arith.index_cast %get3A_657 : i32 to index
        %get3A_659 = arith.index_cast %mul3A_622 : i32 to index
        %get3A_660 = tpu.vector_load %arg13[%get3A_658, %get3A_659] {strides = array<i32>} : memref<8x1024xf32, #tpu.memory_space<vmem>>, vector<1x16xf32>,
        %get3A_661 = vector.shape_cast %get3A_660 : vector<1x16xf32> to vector<16xf32>
        %swap3A = arith.constant 0 : i32
        %swap3A_662 = arith.index_cast %swap3A : i32 to index
        %swap3A_663 = arith.index_cast %mul3A_622 : i32 to index
        %swap3A_664 = tpu.vector_load %arg7[%swap3A_662, %swap3A_663] {strides = array<i32>} : memref<8x1024xf32, #tpu.memory_space<vmem>>, vector<1x16xf32>,
        %swap3A_665 = vector.shape_cast %swap3A_664 : vector<1x16xf32> to vector<16xf32>
        %swap3A_666 = vector.shape_cast %get3A_626 : vector<16xf32> to vector<1x16xf32>
        tpu.vector_store %arg7[%swap3A_662, %swap3A_663], %swap3A_666 {add = true, strides = array<i32>} : memref<8x1024xf32, #tpu.memory_space<vmem>>, vector<1x16xf32>,
        %swap3A_667 = arith.constant 1 : i32
        %swap3A_668 = arith.index_cast %swap3A_667 : i32 to index
        %swap3A_669 = arith.index_cast %mul3A_622 : i32 to index
        %swap3A_670 = tpu.vector_load %arg7[%swap3A_668, %swap3A_669] {strides = array<i32>} : memref<8x1024xf32, #tpu.memory_space<vmem>>, vector<1x16xf32>,
        %swap3A_671 = vector.shape_cast %swap3A_670 : vector<1x16xf32> to vector<16xf32>
        %swap3A_672 = vector.shape_cast %get3A_631 : vector<16xf32> to vector<1x16xf32>
        tpu.vector_store %arg7[%swap3A_668, %swap3A_669], %swap3A_672 {add = true, strides = array<i32>} : memref<8x1024xf32, #tpu.memory_space<vmem>>, vector<1x16xf32>,
        %swap3A_673 = arith.constant 2 : i32
        %swap3A_674 = arith.index_cast %swap3A_673 : i32 to index
        %swap3A_675 = arith.index_cast %mul3A_622 : i32 to index
        %swap3A_676 = tpu.vector_load %arg7[%swap3A_674, %swap3A_675] {strides = array<i32>} : memref<8x1024xf32, #tpu.memory_space<vmem>>, vector<1x16xf32>,
        %swap3A_677 = vector.shape_cast %swap3A_676 : vector<1x16xf32> to vector<16xf32>
        %swap3A_678 = vector.shape_cast %get3A_636 : vector<16xf32> to vector<1x16xf32>
        tpu.vector_store %arg7[%swap3A_674, %swap3A_675], %swap3A_678 {add = true, strides = array<i32>} : memref<8x1024xf32, #tpu.memory_space<vmem>>, vector<1x16xf32>,
        %swap3A_679 = arith.constant 3 : i32
        %swap3A_680 = arith.index_cast %swap3A_679 : i32 to index
        %swap3A_681 = arith.index_cast %mul3A_622 : i32 to index
        %swap3A_682 = tpu.vector_load %arg7[%swap3A_680, %swap3A_681] {strides = array<i32>} : memref<8x1024xf32, #tpu.memory_space<vmem>>, vector<1x16xf32>,
        %swap3A_683 = vector.shape_cast %swap3A_682 : vector<1x16xf32> to vector<16xf32>
        %swap3A_684 = vector.shape_cast %get3A_641 : vector<16xf32> to vector<1x16xf32>
        tpu.vector_store %arg7[%swap3A_680, %swap3A_681], %swap3A_684 {add = true, strides = array<i32>} : memref<8x1024xf32, #tpu.memory_space<vmem>>, vector<1x16xf32>,
        %swap3A_685 = arith.constant 4 : i32
        %swap3A_686 = arith.index_cast %swap3A_685 : i32 to index
        %swap3A_687 = arith.index_cast %mul3A_622 : i32 to index
        %swap3A_688 = tpu.vector_load %arg7[%swap3A_686, %swap3A_687] {strides = array<i32>} : memref<8x1024xf32, #tpu.memory_space<vmem>>, vector<1x16xf32>,
        %swap3A_689 = vector.shape_cast %swap3A_688 : vector<1x16xf32> to vector<16xf32>
        %swap3A_690 = vector.shape_cast %get3A_646 : vector<16xf32> to vector<1x16xf32>
        tpu.vector_store %arg7[%swap3A_686, %swap3A_687], %swap3A_690 {add = true, strides = array<i32>} : memref<8x1024xf32, #tpu.memory_space<vmem>>, vector<1x16xf32>,
        %swap3A_691 = arith.constant 5 : i32
        %swap3A_692 = arith.index_cast %swap3A_691 : i32 to index
        %swap3A_693 = arith.index_cast %mul3A_622 : i32 to index
        %swap3A_694 = tpu.vector_load %arg7[%swap3A_692, %swap3A_693] {strides = array<i32>} : memref<8x1024xf32, #tpu.memory_space<vmem>>, vector<1x16xf32>,
        %swap3A_695 = vector.shape_cast %swap3A_694 : vector<1x16xf32> to vector<16xf32>
        %swap3A_696 = vector.shape_cast %get3A_651 : vector<16xf32> to vector<1x16xf32>
        tpu.vector_store %arg7[%swap3A_692, %swap3A_693], %swap3A_696 {add = true, strides = array<i32>} : memref<8x1024xf32, #tpu.memory_space<vmem>>, vector<1x16xf32>,
        %swap3A_697 = arith.constant 6 : i32
        %swap3A_698 = arith.index_cast %swap3A_697 : i32 to index
        %swap3A_699 = arith.index_cast %mul3A_622 : i32 to index
        %swap3A_700 = tpu.vector_load %arg7[%swap3A_698, %swap3A_699] {strides = array<i32>} : memref<8x1024xf32, #tpu.memory_space<vmem>>, vector<1x16xf32>,
        %swap3A_701 = vector.shape_cast %swap3A_700 : vector<1x16xf32> to vector<16xf32>
        %swap3A_702 = vector.shape_cast %get3A_656 : vector<16xf32> to vector<1x16xf32>
        tpu.vector_store %arg7[%swap3A_698, %swap3A_699], %swap3A_702 {add = true, strides = array<i32>} : memref<8x1024xf32, #tpu.memory_space<vmem>>, vector<1x16xf32>,
        %swap3A_703 = arith.constant 7 : i32
        %swap3A_704 = arith.index_cast %swap3A_703 : i32 to index
        %swap3A_705 = arith.index_cast %mul3A_622 : i32 to index
        %swap3A_706 = tpu.vector_load %arg7[%swap3A_704, %swap3A_705] {strides = array<i32>} : memref<8x1024xf32, #tpu.memory_space<vmem>>, vector<1x16xf32>,
        %swap3A_707 = vector.shape_cast %swap3A_706 : vector<1x16xf32> to vector<16xf32>
        %swap3A_708 = vector.shape_cast %get3A_661 : vector<16xf32> to vector<1x16xf32>
        tpu.vector_store %arg7[%swap3A_704, %swap3A_705], %swap3A_708 {add = true, strides = array<i32>} : memref<8x1024xf32, #tpu.memory_space<vmem>>, vector<1x16xf32>,
      }
      %scan3A_290 = arith.constant 64 : i32
      %rem3A_291 = arith.constant 4 : i32
      %rem3A_292 = arith.remsi %add3A_266, %rem3A_291 : i32
      %mul3A_293 = arith.constant 4096 : i32
      %mul3A_294 = arith.muli %rem3A_292, %mul3A_293 : i32
      %add3A_295 = arith.addi %mul3A_294, %mul3A_2 : i32
      %div3A_296 = arith.constant 4 : i32
      %div3A_297 = arith.divsi %add3A_266, %div3A_296 : i32
      %mul3A_298 = arith.constant 8 : i32
      %mul3A_299 = arith.muli %div3A_297, %mul3A_298 : i32
      %add3A_300 = arith.addi %add3A_295, %mul3A_299 : i32
      %dma_start3A_301 = arith.constant 0 : i32
      %dma_start3A_302 = tpu.memref_slice %arg4[%add3A_300, %dma_start3A_301] : memref<16384x1024xf32, #tpu.memory_space<hbm>> -> memref<8x1024xf32, #tpu.memory_space<hbm>>
      %dma_start3A_303 = arith.constant 0 : i32
      %dma_start3A_304 = tpu.memref_slice %arg4[%add3A_300, %dma_start3A_303] : memref<16384x1024xf32, #tpu.memory_space<hbm>> -> memref<8x1024xf32, #tpu.memory_space<hbm>>
      tpu.enqueue_dma source(%arg7 : memref<8x1024xf32, #tpu.memory_space<vmem>>) target(%dma_start3A_304 : memref<8x1024xf32, #tpu.memory_space<hbm>>) target_semaphore(%arg25 : memref<!tpu.dma_semaphore, #tpu.memory_space<semaphore_mem>>)
      %sub3A_305 = arith.constant 4 : i32
      %sub3A_306 = arith.subi %add3A_266, %sub3A_305 : i32
      %add3A_307 = arith.constant 4 : i32
      %add3A_308 = arith.addi %add3A_266, %add3A_307 : i32
      %ge3A_309 = arith.constant 0 : i32
      %ge3A_310 = arith.cmpi sge, %sub3A_306, %ge3A_309 : i32
      %convert_element_type3A_311 = arith.extui %ge3A_310 : i1 to i32
      %cond3A_312 = arith.constant 0 : i32
      %cond3A_313 = arith.cmpi ne, %convert_element_type3A_311, %cond3A_312 : i32
      scf.if %cond3A_313 {
        %rem3A_620 = arith.constant 4 : i32
        %rem3A_621 = arith.remsi %sub3A_306, %rem3A_620 : i32
        %mul3A_622 = arith.constant 4096 : i32
        %mul3A_623 = arith.muli %rem3A_621, %mul3A_622 : i32
        %add3A_624 = arith.addi %mul3A_623, %mul3A_2 : i32
        %div3A_625 = arith.constant 4 : i32
        %div3A_626 = arith.divsi %sub3A_306, %div3A_625 : i32
        %mul3A_627 = arith.constant 8 : i32
        %mul3A_628 = arith.muli %div3A_626, %mul3A_627 : i32
        %add3A_629 = arith.addi %add3A_624, %mul3A_628 : i32
        %dma_wait3A_630 = arith.constant 0 : i32
        %dma_wait3A_631 = tpu.memref_slice %arg4[%add3A_629, %dma_wait3A_630] : memref<16384x1024xf32, #tpu.memory_space<hbm>> -> memref<8x1024xf32, #tpu.memory_space<hbm>>
        %dma_wait3A_632 = arith.constant 0 : i32
        %dma_wait3A_633 = tpu.memref_slice %arg4[%add3A_629, %dma_wait3A_632] : memref<16384x1024xf32, #tpu.memory_space<hbm>> -> memref<8x1024xf32, #tpu.memory_space<hbm>>
        tpu.wait_dma2 semaphore(%arg29 : memref<!tpu.dma_semaphore, #tpu.memory_space<semaphore_mem>>) src(%arg11 : memref<8x1024xf32, #tpu.memory_space<vmem>>) dst(%dma_wait3A_633 : memref<8x1024xf32, #tpu.memory_space<hbm>>)
      } else {
      }
      %lt3A_314 = arith.constant 64 : i32
      %lt3A_315 = arith.cmpi slt, %add3A_308, %lt3A_314 : i32
      %convert_element_type3A_316 = arith.extui %lt3A_315 : i1 to i32
      %cond3A_317 = arith.constant 0 : i32
      %cond3A_318 = arith.cmpi ne, %convert_element_type3A_316, %cond3A_317 : i32
      scf.if %cond3A_318 {
        %rem3A_620 = arith.constant 4 : i32
        %rem3A_621 = arith.remsi %add3A_308, %rem3A_620 : i32
        %mul3A_622 = arith.constant 4096 : i32
        %mul3A_623 = arith.muli %rem3A_621, %mul3A_622 : i32
        %add3A_624 = arith.addi %mul3A_623, %mul3A_2 : i32
        %div3A_625 = arith.constant 4 : i32
        %div3A_626 = arith.divsi %add3A_308, %div3A_625 : i32
        %mul3A_627 = arith.constant 8 : i32
        %mul3A_628 = arith.muli %div3A_626, %mul3A_627 : i32
        %add3A_629 = arith.addi %add3A_624, %mul3A_628 : i32
        %dma_start3A_630 = arith.constant 0 : i32
        %dma_start3A_631 = tpu.memref_slice %arg2[%add3A_629, %dma_start3A_630] : memref<16384x1024xf32, #tpu.memory_space<hbm>> -> memref<8x1024xf32, #tpu.memory_space<hbm>>
        %dma_start3A_632 = arith.constant 0 : i32
        %dma_start3A_633 = tpu.memref_slice %arg2[%add3A_629, %dma_start3A_632] : memref<16384x1024xf32, #tpu.memory_space<hbm>> -> memref<8x1024xf32, #tpu.memory_space<hbm>>
        tpu.enqueue_dma source(%dma_start3A_633 : memref<8x1024xf32, #tpu.memory_space<hbm>>) target(%arg11 : memref<8x1024xf32, #tpu.memory_space<vmem>>) target_semaphore(%arg21 : memref<!tpu.dma_semaphore, #tpu.memory_space<semaphore_mem>>)
      } else {
      }
      %mul3A_319 = arith.constant 8 : i32
      %mul3A_320 = arith.muli %mul3A_319, %scan3A_148 : i32
      %add3A_321 = arith.constant 3 : i32
      %add3A_322 = arith.addi %mul3A_320, %add3A_321 : i32
      %mul3A_323 = arith.constant 2 : i32
      %mul3A_324 = arith.muli %mul3A_323, %scan3A_148 : i32
      %add3A_325 = arith.constant 0 : i32
      %add3A_326 = arith.addi %mul3A_324, %add3A_325 : i32
      %rem3A_327 = arith.constant 4 : i32
      %rem3A_328 = arith.remsi %add3A_322, %rem3A_327 : i32
      %mul3A_329 = arith.constant 4096 : i32
      %mul3A_330 = arith.muli %rem3A_328, %mul3A_329 : i32
      %add3A_331 = arith.addi %mul3A_330, %mul3A_2 : i32
      %div3A_332 = arith.constant 4 : i32
      %div3A_333 = arith.divsi %add3A_322, %div3A_332 : i32
      %mul3A_334 = arith.constant 8 : i32
      %mul3A_335 = arith.muli %div3A_333, %mul3A_334 : i32
      %add3A_336 = arith.addi %add3A_331, %mul3A_335 : i32
      %dma_wait3A_337 = arith.constant 0 : i32
      %dma_wait3A_338 = tpu.memref_slice %arg2[%add3A_336, %dma_wait3A_337] : memref<16384x1024xf32, #tpu.memory_space<hbm>> -> memref<8x1024xf32, #tpu.memory_space<hbm>>
      %dma_wait3A_339 = arith.constant 0 : i32
      %dma_wait3A_340 = tpu.memref_slice %arg2[%add3A_336, %dma_wait3A_339] : memref<16384x1024xf32, #tpu.memory_space<hbm>> -> memref<8x1024xf32, #tpu.memory_space<hbm>>
      tpu.wait_dma2 semaphore(%arg18 : memref<!tpu.dma_semaphore, #tpu.memory_space<semaphore_mem>>) src(%dma_wait3A_340 : memref<8x1024xf32, #tpu.memory_space<hbm>>) dst(%arg8 : memref<8x1024xf32, #tpu.memory_space<vmem>>)
      %scan3A_341 = arith.constant 0 : i32
      %scan3A_342 = arith.constant 0 : i32
      %scan3A_343 = arith.constant 64 : i32
      %scan3A_344 = arith.addi %scan3A_342, %scan3A_343 : i32
      %scan3A_345 = arith.constant 1 : i32
      scf.for %scan3A_620 = %scan3A_342 to %scan3A_344 step %scan3A_345  : i32 {
        %mul3A_621 = arith.constant 16 : i32
        %mul3A_622 = arith.muli %scan3A_620, %mul3A_621 : i32
        %get3A = arith.constant 0 : i32
        %get3A_623 = arith.index_cast %get3A : i32 to index
        %get3A_624 = arith.index_cast %mul3A_622 : i32 to index
        %get3A_625 = tpu.vector_load %arg13[%get3A_623, %get3A_624] {strides = array<i32>} : memref<8x1024xf32, #tpu.memory_space<vmem>>, vector<1x16xf32>,
        %get3A_626 = vector.shape_cast %get3A_625 : vector<1x16xf32> to vector<16xf32>
        %get3A_627 = arith.constant 1 : i32
        %get3A_628 = arith.index_cast %get3A_627 : i32 to index
        %get3A_629 = arith.index_cast %mul3A_622 : i32 to index
        %get3A_630 = tpu.vector_load %arg13[%get3A_628, %get3A_629] {strides = array<i32>} : memref<8x1024xf32, #tpu.memory_space<vmem>>, vector<1x16xf32>,
        %get3A_631 = vector.shape_cast %get3A_630 : vector<1x16xf32> to vector<16xf32>
        %get3A_632 = arith.constant 2 : i32
        %get3A_633 = arith.index_cast %get3A_632 : i32 to index
        %get3A_634 = arith.index_cast %mul3A_622 : i32 to index
        %get3A_635 = tpu.vector_load %arg13[%get3A_633, %get3A_634] {strides = array<i32>} : memref<8x1024xf32, #tpu.memory_space<vmem>>, vector<1x16xf32>,
        %get3A_636 = vector.shape_cast %get3A_635 : vector<1x16xf32> to vector<16xf32>
        %get3A_637 = arith.constant 3 : i32
        %get3A_638 = arith.index_cast %get3A_637 : i32 to index
        %get3A_639 = arith.index_cast %mul3A_622 : i32 to index
        %get3A_640 = tpu.vector_load %arg13[%get3A_638, %get3A_639] {strides = array<i32>} : memref<8x1024xf32, #tpu.memory_space<vmem>>, vector<1x16xf32>,
        %get3A_641 = vector.shape_cast %get3A_640 : vector<1x16xf32> to vector<16xf32>
        %get3A_642 = arith.constant 4 : i32
        %get3A_643 = arith.index_cast %get3A_642 : i32 to index
        %get3A_644 = arith.index_cast %mul3A_622 : i32 to index
        %get3A_645 = tpu.vector_load %arg13[%get3A_643, %get3A_644] {strides = array<i32>} : memref<8x1024xf32, #tpu.memory_space<vmem>>, vector<1x16xf32>,
        %get3A_646 = vector.shape_cast %get3A_645 : vector<1x16xf32> to vector<16xf32>
        %get3A_647 = arith.constant 5 : i32
        %get3A_648 = arith.index_cast %get3A_647 : i32 to index
        %get3A_649 = arith.index_cast %mul3A_622 : i32 to index
        %get3A_650 = tpu.vector_load %arg13[%get3A_648, %get3A_649] {strides = array<i32>} : memref<8x1024xf32, #tpu.memory_space<vmem>>, vector<1x16xf32>,
        %get3A_651 = vector.shape_cast %get3A_650 : vector<1x16xf32> to vector<16xf32>
        %get3A_652 = arith.constant 6 : i32
        %get3A_653 = arith.index_cast %get3A_652 : i32 to index
        %get3A_654 = arith.index_cast %mul3A_622 : i32 to index
        %get3A_655 = tpu.vector_load %arg13[%get3A_653, %get3A_654] {strides = array<i32>} : memref<8x1024xf32, #tpu.memory_space<vmem>>, vector<1x16xf32>,
        %get3A_656 = vector.shape_cast %get3A_655 : vector<1x16xf32> to vector<16xf32>
        %get3A_657 = arith.constant 7 : i32
        %get3A_658 = arith.index_cast %get3A_657 : i32 to index
        %get3A_659 = arith.index_cast %mul3A_622 : i32 to index
        %get3A_660 = tpu.vector_load %arg13[%get3A_658, %get3A_659] {strides = array<i32>} : memref<8x1024xf32, #tpu.memory_space<vmem>>, vector<1x16xf32>,
        %get3A_661 = vector.shape_cast %get3A_660 : vector<1x16xf32> to vector<16xf32>
        %swap3A = arith.constant 0 : i32
        %swap3A_662 = arith.index_cast %swap3A : i32 to index
        %swap3A_663 = arith.index_cast %mul3A_622 : i32 to index
        %swap3A_664 = tpu.vector_load %arg8[%swap3A_662, %swap3A_663] {strides = array<i32>} : memref<8x1024xf32, #tpu.memory_space<vmem>>, vector<1x16xf32>,
        %swap3A_665 = vector.shape_cast %swap3A_664 : vector<1x16xf32> to vector<16xf32>
        %swap3A_666 = vector.shape_cast %get3A_626 : vector<16xf32> to vector<1x16xf32>
        tpu.vector_store %arg8[%swap3A_662, %swap3A_663], %swap3A_666 {add = true, strides = array<i32>} : memref<8x1024xf32, #tpu.memory_space<vmem>>, vector<1x16xf32>,
        %swap3A_667 = arith.constant 1 : i32
        %swap3A_668 = arith.index_cast %swap3A_667 : i32 to index
        %swap3A_669 = arith.index_cast %mul3A_622 : i32 to index
        %swap3A_670 = tpu.vector_load %arg8[%swap3A_668, %swap3A_669] {strides = array<i32>} : memref<8x1024xf32, #tpu.memory_space<vmem>>, vector<1x16xf32>,
        %swap3A_671 = vector.shape_cast %swap3A_670 : vector<1x16xf32> to vector<16xf32>
        %swap3A_672 = vector.shape_cast %get3A_631 : vector<16xf32> to vector<1x16xf32>
        tpu.vector_store %arg8[%swap3A_668, %swap3A_669], %swap3A_672 {add = true, strides = array<i32>} : memref<8x1024xf32, #tpu.memory_space<vmem>>, vector<1x16xf32>,
        %swap3A_673 = arith.constant 2 : i32
        %swap3A_674 = arith.index_cast %swap3A_673 : i32 to index
        %swap3A_675 = arith.index_cast %mul3A_622 : i32 to index
        %swap3A_676 = tpu.vector_load %arg8[%swap3A_674, %swap3A_675] {strides = array<i32>} : memref<8x1024xf32, #tpu.memory_space<vmem>>, vector<1x16xf32>,
        %swap3A_677 = vector.shape_cast %swap3A_676 : vector<1x16xf32> to vector<16xf32>
        %swap3A_678 = vector.shape_cast %get3A_636 : vector<16xf32> to vector<1x16xf32>
        tpu.vector_store %arg8[%swap3A_674, %swap3A_675], %swap3A_678 {add = true, strides = array<i32>} : memref<8x1024xf32, #tpu.memory_space<vmem>>, vector<1x16xf32>,
        %swap3A_679 = arith.constant 3 : i32
        %swap3A_680 = arith.index_cast %swap3A_679 : i32 to index
        %swap3A_681 = arith.index_cast %mul3A_622 : i32 to index
        %swap3A_682 = tpu.vector_load %arg8[%swap3A_680, %swap3A_681] {strides = array<i32>} : memref<8x1024xf32, #tpu.memory_space<vmem>>, vector<1x16xf32>,
        %swap3A_683 = vector.shape_cast %swap3A_682 : vector<1x16xf32> to vector<16xf32>
        %swap3A_684 = vector.shape_cast %get3A_641 : vector<16xf32> to vector<1x16xf32>
        tpu.vector_store %arg8[%swap3A_680, %swap3A_681], %swap3A_684 {add = true, strides = array<i32>} : memref<8x1024xf32, #tpu.memory_space<vmem>>, vector<1x16xf32>,
        %swap3A_685 = arith.constant 4 : i32
        %swap3A_686 = arith.index_cast %swap3A_685 : i32 to index
        %swap3A_687 = arith.index_cast %mul3A_622 : i32 to index
        %swap3A_688 = tpu.vector_load %arg8[%swap3A_686, %swap3A_687] {strides = array<i32>} : memref<8x1024xf32, #tpu.memory_space<vmem>>, vector<1x16xf32>,
        %swap3A_689 = vector.shape_cast %swap3A_688 : vector<1x16xf32> to vector<16xf32>
        %swap3A_690 = vector.shape_cast %get3A_646 : vector<16xf32> to vector<1x16xf32>
        tpu.vector_store %arg8[%swap3A_686, %swap3A_687], %swap3A_690 {add = true, strides = array<i32>} : memref<8x1024xf32, #tpu.memory_space<vmem>>, vector<1x16xf32>,
        %swap3A_691 = arith.constant 5 : i32
        %swap3A_692 = arith.index_cast %swap3A_691 : i32 to index
        %swap3A_693 = arith.index_cast %mul3A_622 : i32 to index
        %swap3A_694 = tpu.vector_load %arg8[%swap3A_692, %swap3A_693] {strides = array<i32>} : memref<8x1024xf32, #tpu.memory_space<vmem>>, vector<1x16xf32>,
        %swap3A_695 = vector.shape_cast %swap3A_694 : vector<1x16xf32> to vector<16xf32>
        %swap3A_696 = vector.shape_cast %get3A_651 : vector<16xf32> to vector<1x16xf32>
        tpu.vector_store %arg8[%swap3A_692, %swap3A_693], %swap3A_696 {add = true, strides = array<i32>} : memref<8x1024xf32, #tpu.memory_space<vmem>>, vector<1x16xf32>,
        %swap3A_697 = arith.constant 6 : i32
        %swap3A_698 = arith.index_cast %swap3A_697 : i32 to index
        %swap3A_699 = arith.index_cast %mul3A_622 : i32 to index
        %swap3A_700 = tpu.vector_load %arg8[%swap3A_698, %swap3A_699] {strides = array<i32>} : memref<8x1024xf32, #tpu.memory_space<vmem>>, vector<1x16xf32>,
        %swap3A_701 = vector.shape_cast %swap3A_700 : vector<1x16xf32> to vector<16xf32>
        %swap3A_702 = vector.shape_cast %get3A_656 : vector<16xf32> to vector<1x16xf32>
        tpu.vector_store %arg8[%swap3A_698, %swap3A_699], %swap3A_702 {add = true, strides = array<i32>} : memref<8x1024xf32, #tpu.memory_space<vmem>>, vector<1x16xf32>,
        %swap3A_703 = arith.constant 7 : i32
        %swap3A_704 = arith.index_cast %swap3A_703 : i32 to index
        %swap3A_705 = arith.index_cast %mul3A_622 : i32 to index
        %swap3A_706 = tpu.vector_load %arg8[%swap3A_704, %swap3A_705] {strides = array<i32>} : memref<8x1024xf32, #tpu.memory_space<vmem>>, vector<1x16xf32>,
        %swap3A_707 = vector.shape_cast %swap3A_706 : vector<1x16xf32> to vector<16xf32>
        %swap3A_708 = vector.shape_cast %get3A_661 : vector<16xf32> to vector<1x16xf32>
        tpu.vector_store %arg8[%swap3A_704, %swap3A_705], %swap3A_708 {add = true, strides = array<i32>} : memref<8x1024xf32, #tpu.memory_space<vmem>>, vector<1x16xf32>,
      }
      %scan3A_346 = arith.constant 64 : i32
      %rem3A_347 = arith.constant 4 : i32
      %rem3A_348 = arith.remsi %add3A_322, %rem3A_347 : i32
      %mul3A_349 = arith.constant 4096 : i32
      %mul3A_350 = arith.muli %rem3A_348, %mul3A_349 : i32
      %add3A_351 = arith.addi %mul3A_350, %mul3A_2 : i32
      %div3A_352 = arith.constant 4 : i32
      %div3A_353 = arith.divsi %add3A_322, %div3A_352 : i32
      %mul3A_354 = arith.constant 8 : i32
      %mul3A_355 = arith.muli %div3A_353, %mul3A_354 : i32
      %add3A_356 = arith.addi %add3A_351, %mul3A_355 : i32
      %dma_start3A_357 = arith.constant 0 : i32
      %dma_start3A_358 = tpu.memref_slice %arg4[%add3A_356, %dma_start3A_357] : memref<16384x1024xf32, #tpu.memory_space<hbm>> -> memref<8x1024xf32, #tpu.memory_space<hbm>>
      %dma_start3A_359 = arith.constant 0 : i32
      %dma_start3A_360 = tpu.memref_slice %arg4[%add3A_356, %dma_start3A_359] : memref<16384x1024xf32, #tpu.memory_space<hbm>> -> memref<8x1024xf32, #tpu.memory_space<hbm>>
      tpu.enqueue_dma source(%arg8 : memref<8x1024xf32, #tpu.memory_space<vmem>>) target(%dma_start3A_360 : memref<8x1024xf32, #tpu.memory_space<hbm>>) target_semaphore(%arg26 : memref<!tpu.dma_semaphore, #tpu.memory_space<semaphore_mem>>)
      %sub3A_361 = arith.constant 4 : i32
      %sub3A_362 = arith.subi %add3A_322, %sub3A_361 : i32
      %add3A_363 = arith.constant 4 : i32
      %add3A_364 = arith.addi %add3A_322, %add3A_363 : i32
      %ge3A_365 = arith.constant 0 : i32
      %ge3A_366 = arith.cmpi sge, %sub3A_362, %ge3A_365 : i32
      %convert_element_type3A_367 = arith.extui %ge3A_366 : i1 to i32
      %cond3A_368 = arith.constant 0 : i32
      %cond3A_369 = arith.cmpi ne, %convert_element_type3A_367, %cond3A_368 : i32
      scf.if %cond3A_369 {
        %rem3A_620 = arith.constant 4 : i32
        %rem3A_621 = arith.remsi %sub3A_362, %rem3A_620 : i32
        %mul3A_622 = arith.constant 4096 : i32
        %mul3A_623 = arith.muli %rem3A_621, %mul3A_622 : i32
        %add3A_624 = arith.addi %mul3A_623, %mul3A_2 : i32
        %div3A_625 = arith.constant 4 : i32
        %div3A_626 = arith.divsi %sub3A_362, %div3A_625 : i32
        %mul3A_627 = arith.constant 8 : i32
        %mul3A_628 = arith.muli %div3A_626, %mul3A_627 : i32
        %add3A_629 = arith.addi %add3A_624, %mul3A_628 : i32
        %dma_wait3A_630 = arith.constant 0 : i32
        %dma_wait3A_631 = tpu.memref_slice %arg4[%add3A_629, %dma_wait3A_630] : memref<16384x1024xf32, #tpu.memory_space<hbm>> -> memref<8x1024xf32, #tpu.memory_space<hbm>>
        %dma_wait3A_632 = arith.constant 0 : i32
        %dma_wait3A_633 = tpu.memref_slice %arg4[%add3A_629, %dma_wait3A_632] : memref<16384x1024xf32, #tpu.memory_space<hbm>> -> memref<8x1024xf32, #tpu.memory_space<hbm>>
        tpu.wait_dma2 semaphore(%arg30 : memref<!tpu.dma_semaphore, #tpu.memory_space<semaphore_mem>>) src(%arg12 : memref<8x1024xf32, #tpu.memory_space<vmem>>) dst(%dma_wait3A_633 : memref<8x1024xf32, #tpu.memory_space<hbm>>)
      } else {
      }
      %lt3A_370 = arith.constant 64 : i32
      %lt3A_371 = arith.cmpi slt, %add3A_364, %lt3A_370 : i32
      %convert_element_type3A_372 = arith.extui %lt3A_371 : i1 to i32
      %cond3A_373 = arith.constant 0 : i32
      %cond3A_374 = arith.cmpi ne, %convert_element_type3A_372, %cond3A_373 : i32
      scf.if %cond3A_374 {
        %rem3A_620 = arith.constant 4 : i32
        %rem3A_621 = arith.remsi %add3A_364, %rem3A_620 : i32
        %mul3A_622 = arith.constant 4096 : i32
        %mul3A_623 = arith.muli %rem3A_621, %mul3A_622 : i32
        %add3A_624 = arith.addi %mul3A_623, %mul3A_2 : i32
        %div3A_625 = arith.constant 4 : i32
        %div3A_626 = arith.divsi %add3A_364, %div3A_625 : i32
        %mul3A_627 = arith.constant 8 : i32
        %mul3A_628 = arith.muli %div3A_626, %mul3A_627 : i32
        %add3A_629 = arith.addi %add3A_624, %mul3A_628 : i32
        %dma_start3A_630 = arith.constant 0 : i32
        %dma_start3A_631 = tpu.memref_slice %arg2[%add3A_629, %dma_start3A_630] : memref<16384x1024xf32, #tpu.memory_space<hbm>> -> memref<8x1024xf32, #tpu.memory_space<hbm>>
        %dma_start3A_632 = arith.constant 0 : i32
        %dma_start3A_633 = tpu.memref_slice %arg2[%add3A_629, %dma_start3A_632] : memref<16384x1024xf32, #tpu.memory_space<hbm>> -> memref<8x1024xf32, #tpu.memory_space<hbm>>
        tpu.enqueue_dma source(%dma_start3A_633 : memref<8x1024xf32, #tpu.memory_space<hbm>>) target(%arg12 : memref<8x1024xf32, #tpu.memory_space<vmem>>) target_semaphore(%arg22 : memref<!tpu.dma_semaphore, #tpu.memory_space<semaphore_mem>>)
      } else {
      }
      %add3A_375 = arith.constant 2 : i32
      %add3A_376 = arith.addi %add3A_326, %add3A_375 : i32
      %lt3A_377 = arith.constant 16 : i32
      %lt3A_378 = arith.cmpi slt, %add3A_376, %lt3A_377 : i32
      %convert_element_type3A_379 = arith.extui %lt3A_378 : i1 to i32
      %cond3A_380 = arith.constant 0 : i32
      %cond3A_381 = arith.cmpi ne, %convert_element_type3A_379, %cond3A_380 : i32
      scf.if %cond3A_381 {
        %add3A_620 = arith.constant 2 : i32
        %add3A_621 = arith.addi %add3A_326, %add3A_620 : i32
        %mul3A_622 = arith.constant 8 : i32
        %mul3A_623 = arith.muli %add3A_621, %mul3A_622 : i32
        %add3A_624 = arith.addi %mul3A_2, %mul3A_623 : i32
        %dma_start3A_625 = arith.constant 0 : i32
        %dma_start3A_626 = tpu.memref_slice %arg3[%add3A_624, %dma_start3A_625] : memref<4096x1024xf32, #tpu.memory_space<hbm>> -> memref<8x1024xf32, #tpu.memory_space<hbm>>
        %dma_start3A_627 = arith.constant 0 : i32
        %dma_start3A_628 = tpu.memref_slice %arg3[%add3A_624, %dma_start3A_627] : memref<4096x1024xf32, #tpu.memory_space<hbm>> -> memref<8x1024xf32, #tpu.memory_space<hbm>>
        tpu.enqueue_dma source(%dma_start3A_628 : memref<8x1024xf32, #tpu.memory_space<hbm>>) target(%arg13 : memref<8x1024xf32, #tpu.memory_space<vmem>>) target_semaphore(%arg31 : memref<!tpu.dma_semaphore, #tpu.memory_space<semaphore_mem>>)
      } else {
      }
      %mul3A_382 = arith.constant 8 : i32
      %mul3A_383 = arith.muli %mul3A_382, %scan3A_148 : i32
      %add3A_384 = arith.constant 4 : i32
      %add3A_385 = arith.addi %mul3A_383, %add3A_384 : i32
      %mul3A_386 = arith.constant 2 : i32
      %mul3A_387 = arith.muli %mul3A_386, %scan3A_148 : i32
      %add3A_388 = arith.constant 1 : i32
      %add3A_389 = arith.addi %mul3A_387, %add3A_388 : i32
      %mul3A_390 = arith.constant 8 : i32
      %mul3A_391 = arith.muli %add3A_389, %mul3A_390 : i32
      %add3A_392 = arith.addi %mul3A_2, %mul3A_391 : i32
      %dma_wait3A_393 = arith.constant 0 : i32
      %dma_wait3A_394 = tpu.memref_slice %arg3[%add3A_392, %dma_wait3A_393] : memref<4096x1024xf32, #tpu.memory_space<hbm>> -> memref<8x1024xf32, #tpu.memory_space<hbm>>
      %dma_wait3A_395 = arith.constant 0 : i32
      %dma_wait3A_396 = tpu.memref_slice %arg3[%add3A_392, %dma_wait3A_395] : memref<4096x1024xf32, #tpu.memory_space<hbm>> -> memref<8x1024xf32, #tpu.memory_space<hbm>>
      tpu.wait_dma2 semaphore(%arg32 : memref<!tpu.dma_semaphore, #tpu.memory_space<semaphore_mem>>) src(%dma_wait3A_396 : memref<8x1024xf32, #tpu.memory_space<hbm>>) dst(%arg14 : memref<8x1024xf32, #tpu.memory_space<vmem>>)
      %rem3A_397 = arith.constant 4 : i32
      %rem3A_398 = arith.remsi %add3A_385, %rem3A_397 : i32
      %mul3A_399 = arith.constant 4096 : i32
      %mul3A_400 = arith.muli %rem3A_398, %mul3A_399 : i32
      %add3A_401 = arith.addi %mul3A_400, %mul3A_2 : i32
      %div3A_402 = arith.constant 4 : i32
      %div3A_403 = arith.divsi %add3A_385, %div3A_402 : i32
      %mul3A_404 = arith.constant 8 : i32
      %mul3A_405 = arith.muli %div3A_403, %mul3A_404 : i32
      %add3A_406 = arith.addi %add3A_401, %mul3A_405 : i32
      %dma_wait3A_407 = arith.constant 0 : i32
      %dma_wait3A_408 = tpu.memref_slice %arg2[%add3A_406, %dma_wait3A_407] : memref<16384x1024xf32, #tpu.memory_space<hbm>> -> memref<8x1024xf32, #tpu.memory_space<hbm>>
      %dma_wait3A_409 = arith.constant 0 : i32
      %dma_wait3A_410 = tpu.memref_slice %arg2[%add3A_406, %dma_wait3A_409] : memref<16384x1024xf32, #tpu.memory_space<hbm>> -> memref<8x1024xf32, #tpu.memory_space<hbm>>
      tpu.wait_dma2 semaphore(%arg19 : memref<!tpu.dma_semaphore, #tpu.memory_space<semaphore_mem>>) src(%dma_wait3A_410 : memref<8x1024xf32, #tpu.memory_space<hbm>>) dst(%arg9 : memref<8x1024xf32, #tpu.memory_space<vmem>>)
      %scan3A_411 = arith.constant 0 : i32
      %scan3A_412 = arith.constant 0 : i32
      %scan3A_413 = arith.constant 64 : i32
      %scan3A_414 = arith.addi %scan3A_412, %scan3A_413 : i32
      %scan3A_415 = arith.constant 1 : i32
      scf.for %scan3A_620 = %scan3A_412 to %scan3A_414 step %scan3A_415  : i32 {
        %mul3A_621 = arith.constant 16 : i32
        %mul3A_622 = arith.muli %scan3A_620, %mul3A_621 : i32
        %get3A = arith.constant 0 : i32
        %get3A_623 = arith.index_cast %get3A : i32 to index
        %get3A_624 = arith.index_cast %mul3A_622 : i32 to index
        %get3A_625 = tpu.vector_load %arg14[%get3A_623, %get3A_624] {strides = array<i32>} : memref<8x1024xf32, #tpu.memory_space<vmem>>, vector<1x16xf32>,
        %get3A_626 = vector.shape_cast %get3A_625 : vector<1x16xf32> to vector<16xf32>
        %get3A_627 = arith.constant 1 : i32
        %get3A_628 = arith.index_cast %get3A_627 : i32 to index
        %get3A_629 = arith.index_cast %mul3A_622 : i32 to index
        %get3A_630 = tpu.vector_load %arg14[%get3A_628, %get3A_629] {strides = array<i32>} : memref<8x1024xf32, #tpu.memory_space<vmem>>, vector<1x16xf32>,
        %get3A_631 = vector.shape_cast %get3A_630 : vector<1x16xf32> to vector<16xf32>
        %get3A_632 = arith.constant 2 : i32
        %get3A_633 = arith.index_cast %get3A_632 : i32 to index
        %get3A_634 = arith.index_cast %mul3A_622 : i32 to index
        %get3A_635 = tpu.vector_load %arg14[%get3A_633, %get3A_634] {strides = array<i32>} : memref<8x1024xf32, #tpu.memory_space<vmem>>, vector<1x16xf32>,
        %get3A_636 = vector.shape_cast %get3A_635 : vector<1x16xf32> to vector<16xf32>
        %get3A_637 = arith.constant 3 : i32
        %get3A_638 = arith.index_cast %get3A_637 : i32 to index
        %get3A_639 = arith.index_cast %mul3A_622 : i32 to index
        %get3A_640 = tpu.vector_load %arg14[%get3A_638, %get3A_639] {strides = array<i32>} : memref<8x1024xf32, #tpu.memory_space<vmem>>, vector<1x16xf32>,
        %get3A_641 = vector.shape_cast %get3A_640 : vector<1x16xf32> to vector<16xf32>
        %get3A_642 = arith.constant 4 : i32
        %get3A_643 = arith.index_cast %get3A_642 : i32 to index
        %get3A_644 = arith.index_cast %mul3A_622 : i32 to index
        %get3A_645 = tpu.vector_load %arg14[%get3A_643, %get3A_644] {strides = array<i32>} : memref<8x1024xf32, #tpu.memory_space<vmem>>, vector<1x16xf32>,
        %get3A_646 = vector.shape_cast %get3A_645 : vector<1x16xf32> to vector<16xf32>
        %get3A_647 = arith.constant 5 : i32
        %get3A_648 = arith.index_cast %get3A_647 : i32 to index
        %get3A_649 = arith.index_cast %mul3A_622 : i32 to index
        %get3A_650 = tpu.vector_load %arg14[%get3A_648, %get3A_649] {strides = array<i32>} : memref<8x1024xf32, #tpu.memory_space<vmem>>, vector<1x16xf32>,
        %get3A_651 = vector.shape_cast %get3A_650 : vector<1x16xf32> to vector<16xf32>
        %get3A_652 = arith.constant 6 : i32
        %get3A_653 = arith.index_cast %get3A_652 : i32 to index
        %get3A_654 = arith.index_cast %mul3A_622 : i32 to index
        %get3A_655 = tpu.vector_load %arg14[%get3A_653, %get3A_654] {strides = array<i32>} : memref<8x1024xf32, #tpu.memory_space<vmem>>, vector<1x16xf32>,
        %get3A_656 = vector.shape_cast %get3A_655 : vector<1x16xf32> to vector<16xf32>
        %get3A_657 = arith.constant 7 : i32
        %get3A_658 = arith.index_cast %get3A_657 : i32 to index
        %get3A_659 = arith.index_cast %mul3A_622 : i32 to index
        %get3A_660 = tpu.vector_load %arg14[%get3A_658, %get3A_659] {strides = array<i32>} : memref<8x1024xf32, #tpu.memory_space<vmem>>, vector<1x16xf32>,
        %get3A_661 = vector.shape_cast %get3A_660 : vector<1x16xf32> to vector<16xf32>
        %swap3A = arith.constant 0 : i32
        %swap3A_662 = arith.index_cast %swap3A : i32 to index
        %swap3A_663 = arith.index_cast %mul3A_622 : i32 to index
        %swap3A_664 = tpu.vector_load %arg9[%swap3A_662, %swap3A_663] {strides = array<i32>} : memref<8x1024xf32, #tpu.memory_space<vmem>>, vector<1x16xf32>,
        %swap3A_665 = vector.shape_cast %swap3A_664 : vector<1x16xf32> to vector<16xf32>
        %swap3A_666 = vector.shape_cast %get3A_626 : vector<16xf32> to vector<1x16xf32>
        tpu.vector_store %arg9[%swap3A_662, %swap3A_663], %swap3A_666 {add = true, strides = array<i32>} : memref<8x1024xf32, #tpu.memory_space<vmem>>, vector<1x16xf32>,
        %swap3A_667 = arith.constant 1 : i32
        %swap3A_668 = arith.index_cast %swap3A_667 : i32 to index
        %swap3A_669 = arith.index_cast %mul3A_622 : i32 to index
        %swap3A_670 = tpu.vector_load %arg9[%swap3A_668, %swap3A_669] {strides = array<i32>} : memref<8x1024xf32, #tpu.memory_space<vmem>>, vector<1x16xf32>,
        %swap3A_671 = vector.shape_cast %swap3A_670 : vector<1x16xf32> to vector<16xf32>
        %swap3A_672 = vector.shape_cast %get3A_631 : vector<16xf32> to vector<1x16xf32>
        tpu.vector_store %arg9[%swap3A_668, %swap3A_669], %swap3A_672 {add = true, strides = array<i32>} : memref<8x1024xf32, #tpu.memory_space<vmem>>, vector<1x16xf32>,
        %swap3A_673 = arith.constant 2 : i32
        %swap3A_674 = arith.index_cast %swap3A_673 : i32 to index
        %swap3A_675 = arith.index_cast %mul3A_622 : i32 to index
        %swap3A_676 = tpu.vector_load %arg9[%swap3A_674, %swap3A_675] {strides = array<i32>} : memref<8x1024xf32, #tpu.memory_space<vmem>>, vector<1x16xf32>,
        %swap3A_677 = vector.shape_cast %swap3A_676 : vector<1x16xf32> to vector<16xf32>
        %swap3A_678 = vector.shape_cast %get3A_636 : vector<16xf32> to vector<1x16xf32>
        tpu.vector_store %arg9[%swap3A_674, %swap3A_675], %swap3A_678 {add = true, strides = array<i32>} : memref<8x1024xf32, #tpu.memory_space<vmem>>, vector<1x16xf32>,
        %swap3A_679 = arith.constant 3 : i32
        %swap3A_680 = arith.index_cast %swap3A_679 : i32 to index
        %swap3A_681 = arith.index_cast %mul3A_622 : i32 to index
        %swap3A_682 = tpu.vector_load %arg9[%swap3A_680, %swap3A_681] {strides = array<i32>} : memref<8x1024xf32, #tpu.memory_space<vmem>>, vector<1x16xf32>,
        %swap3A_683 = vector.shape_cast %swap3A_682 : vector<1x16xf32> to vector<16xf32>
        %swap3A_684 = vector.shape_cast %get3A_641 : vector<16xf32> to vector<1x16xf32>
        tpu.vector_store %arg9[%swap3A_680, %swap3A_681], %swap3A_684 {add = true, strides = array<i32>} : memref<8x1024xf32, #tpu.memory_space<vmem>>, vector<1x16xf32>,
        %swap3A_685 = arith.constant 4 : i32
        %swap3A_686 = arith.index_cast %swap3A_685 : i32 to index
        %swap3A_687 = arith.index_cast %mul3A_622 : i32 to index
        %swap3A_688 = tpu.vector_load %arg9[%swap3A_686, %swap3A_687] {strides = array<i32>} : memref<8x1024xf32, #tpu.memory_space<vmem>>, vector<1x16xf32>,
        %swap3A_689 = vector.shape_cast %swap3A_688 : vector<1x16xf32> to vector<16xf32>
        %swap3A_690 = vector.shape_cast %get3A_646 : vector<16xf32> to vector<1x16xf32>
        tpu.vector_store %arg9[%swap3A_686, %swap3A_687], %swap3A_690 {add = true, strides = array<i32>} : memref<8x1024xf32, #tpu.memory_space<vmem>>, vector<1x16xf32>,
        %swap3A_691 = arith.constant 5 : i32
        %swap3A_692 = arith.index_cast %swap3A_691 : i32 to index
        %swap3A_693 = arith.index_cast %mul3A_622 : i32 to index
        %swap3A_694 = tpu.vector_load %arg9[%swap3A_692, %swap3A_693] {strides = array<i32>} : memref<8x1024xf32, #tpu.memory_space<vmem>>, vector<1x16xf32>,
        %swap3A_695 = vector.shape_cast %swap3A_694 : vector<1x16xf32> to vector<16xf32>
        %swap3A_696 = vector.shape_cast %get3A_651 : vector<16xf32> to vector<1x16xf32>
        tpu.vector_store %arg9[%swap3A_692, %swap3A_693], %swap3A_696 {add = true, strides = array<i32>} : memref<8x1024xf32, #tpu.memory_space<vmem>>, vector<1x16xf32>,
        %swap3A_697 = arith.constant 6 : i32
        %swap3A_698 = arith.index_cast %swap3A_697 : i32 to index
        %swap3A_699 = arith.index_cast %mul3A_622 : i32 to index
        %swap3A_700 = tpu.vector_load %arg9[%swap3A_698, %swap3A_699] {strides = array<i32>} : memref<8x1024xf32, #tpu.memory_space<vmem>>, vector<1x16xf32>,
        %swap3A_701 = vector.shape_cast %swap3A_700 : vector<1x16xf32> to vector<16xf32>
        %swap3A_702 = vector.shape_cast %get3A_656 : vector<16xf32> to vector<1x16xf32>
        tpu.vector_store %arg9[%swap3A_698, %swap3A_699], %swap3A_702 {add = true, strides = array<i32>} : memref<8x1024xf32, #tpu.memory_space<vmem>>, vector<1x16xf32>,
        %swap3A_703 = arith.constant 7 : i32
        %swap3A_704 = arith.index_cast %swap3A_703 : i32 to index
        %swap3A_705 = arith.index_cast %mul3A_622 : i32 to index
        %swap3A_706 = tpu.vector_load %arg9[%swap3A_704, %swap3A_705] {strides = array<i32>} : memref<8x1024xf32, #tpu.memory_space<vmem>>, vector<1x16xf32>,
        %swap3A_707 = vector.shape_cast %swap3A_706 : vector<1x16xf32> to vector<16xf32>
        %swap3A_708 = vector.shape_cast %get3A_661 : vector<16xf32> to vector<1x16xf32>
        tpu.vector_store %arg9[%swap3A_704, %swap3A_705], %swap3A_708 {add = true, strides = array<i32>} : memref<8x1024xf32, #tpu.memory_space<vmem>>, vector<1x16xf32>,
      }
      %scan3A_416 = arith.constant 64 : i32
      %rem3A_417 = arith.constant 4 : i32
      %rem3A_418 = arith.remsi %add3A_385, %rem3A_417 : i32
      %mul3A_419 = arith.constant 4096 : i32
      %mul3A_420 = arith.muli %rem3A_418, %mul3A_419 : i32
      %add3A_421 = arith.addi %mul3A_420, %mul3A_2 : i32
      %div3A_422 = arith.constant 4 : i32
      %div3A_423 = arith.divsi %add3A_385, %div3A_422 : i32
      %mul3A_424 = arith.constant 8 : i32
      %mul3A_425 = arith.muli %div3A_423, %mul3A_424 : i32
      %add3A_426 = arith.addi %add3A_421, %mul3A_425 : i32
      %dma_start3A_427 = arith.constant 0 : i32
      %dma_start3A_428 = tpu.memref_slice %arg4[%add3A_426, %dma_start3A_427] : memref<16384x1024xf32, #tpu.memory_space<hbm>> -> memref<8x1024xf32, #tpu.memory_space<hbm>>
      %dma_start3A_429 = arith.constant 0 : i32
      %dma_start3A_430 = tpu.memref_slice %arg4[%add3A_426, %dma_start3A_429] : memref<16384x1024xf32, #tpu.memory_space<hbm>> -> memref<8x1024xf32, #tpu.memory_space<hbm>>
      tpu.enqueue_dma source(%arg9 : memref<8x1024xf32, #tpu.memory_space<vmem>>) target(%dma_start3A_430 : memref<8x1024xf32, #tpu.memory_space<hbm>>) target_semaphore(%arg27 : memref<!tpu.dma_semaphore, #tpu.memory_space<semaphore_mem>>)
      %sub3A_431 = arith.constant 4 : i32
      %sub3A_432 = arith.subi %add3A_385, %sub3A_431 : i32
      %add3A_433 = arith.constant 4 : i32
      %add3A_434 = arith.addi %add3A_385, %add3A_433 : i32
      %ge3A_435 = arith.constant 0 : i32
      %ge3A_436 = arith.cmpi sge, %sub3A_432, %ge3A_435 : i32
      %convert_element_type3A_437 = arith.extui %ge3A_436 : i1 to i32
      %cond3A_438 = arith.constant 0 : i32
      %cond3A_439 = arith.cmpi ne, %convert_element_type3A_437, %cond3A_438 : i32
      scf.if %cond3A_439 {
        %rem3A_620 = arith.constant 4 : i32
        %rem3A_621 = arith.remsi %sub3A_432, %rem3A_620 : i32
        %mul3A_622 = arith.constant 4096 : i32
        %mul3A_623 = arith.muli %rem3A_621, %mul3A_622 : i32
        %add3A_624 = arith.addi %mul3A_623, %mul3A_2 : i32
        %div3A_625 = arith.constant 4 : i32
        %div3A_626 = arith.divsi %sub3A_432, %div3A_625 : i32
        %mul3A_627 = arith.constant 8 : i32
        %mul3A_628 = arith.muli %div3A_626, %mul3A_627 : i32
        %add3A_629 = arith.addi %add3A_624, %mul3A_628 : i32
        %dma_wait3A_630 = arith.constant 0 : i32
        %dma_wait3A_631 = tpu.memref_slice %arg4[%add3A_629, %dma_wait3A_630] : memref<16384x1024xf32, #tpu.memory_space<hbm>> -> memref<8x1024xf32, #tpu.memory_space<hbm>>
        %dma_wait3A_632 = arith.constant 0 : i32
        %dma_wait3A_633 = tpu.memref_slice %arg4[%add3A_629, %dma_wait3A_632] : memref<16384x1024xf32, #tpu.memory_space<hbm>> -> memref<8x1024xf32, #tpu.memory_space<hbm>>
        tpu.wait_dma2 semaphore(%arg23 : memref<!tpu.dma_semaphore, #tpu.memory_space<semaphore_mem>>) src(%arg5 : memref<8x1024xf32, #tpu.memory_space<vmem>>) dst(%dma_wait3A_633 : memref<8x1024xf32, #tpu.memory_space<hbm>>)
      } else {
      }
      %lt3A_440 = arith.constant 64 : i32
      %lt3A_441 = arith.cmpi slt, %add3A_434, %lt3A_440 : i32
      %convert_element_type3A_442 = arith.extui %lt3A_441 : i1 to i32
      %cond3A_443 = arith.constant 0 : i32
      %cond3A_444 = arith.cmpi ne, %convert_element_type3A_442, %cond3A_443 : i32
      scf.if %cond3A_444 {
        %rem3A_620 = arith.constant 4 : i32
        %rem3A_621 = arith.remsi %add3A_434, %rem3A_620 : i32
        %mul3A_622 = arith.constant 4096 : i32
        %mul3A_623 = arith.muli %rem3A_621, %mul3A_622 : i32
        %add3A_624 = arith.addi %mul3A_623, %mul3A_2 : i32
        %div3A_625 = arith.constant 4 : i32
        %div3A_626 = arith.divsi %add3A_434, %div3A_625 : i32
        %mul3A_627 = arith.constant 8 : i32
        %mul3A_628 = arith.muli %div3A_626, %mul3A_627 : i32
        %add3A_629 = arith.addi %add3A_624, %mul3A_628 : i32
        %dma_start3A_630 = arith.constant 0 : i32
        %dma_start3A_631 = tpu.memref_slice %arg2[%add3A_629, %dma_start3A_630] : memref<16384x1024xf32, #tpu.memory_space<hbm>> -> memref<8x1024xf32, #tpu.memory_space<hbm>>
        %dma_start3A_632 = arith.constant 0 : i32
        %dma_start3A_633 = tpu.memref_slice %arg2[%add3A_629, %dma_start3A_632] : memref<16384x1024xf32, #tpu.memory_space<hbm>> -> memref<8x1024xf32, #tpu.memory_space<hbm>>
        tpu.enqueue_dma source(%dma_start3A_633 : memref<8x1024xf32, #tpu.memory_space<hbm>>) target(%arg5 : memref<8x1024xf32, #tpu.memory_space<vmem>>) target_semaphore(%arg15 : memref<!tpu.dma_semaphore, #tpu.memory_space<semaphore_mem>>)
      } else {
      }
      %mul3A_445 = arith.constant 8 : i32
      %mul3A_446 = arith.muli %mul3A_445, %scan3A_148 : i32
      %add3A_447 = arith.constant 5 : i32
      %add3A_448 = arith.addi %mul3A_446, %add3A_447 : i32
      %mul3A_449 = arith.constant 2 : i32
      %mul3A_450 = arith.muli %mul3A_449, %scan3A_148 : i32
      %add3A_451 = arith.constant 1 : i32
      %add3A_452 = arith.addi %mul3A_450, %add3A_451 : i32
      %rem3A_453 = arith.constant 4 : i32
      %rem3A_454 = arith.remsi %add3A_448, %rem3A_453 : i32
      %mul3A_455 = arith.constant 4096 : i32
      %mul3A_456 = arith.muli %rem3A_454, %mul3A_455 : i32
      %add3A_457 = arith.addi %mul3A_456, %mul3A_2 : i32
      %div3A_458 = arith.constant 4 : i32
      %div3A_459 = arith.divsi %add3A_448, %div3A_458 : i32
      %mul3A_460 = arith.constant 8 : i32
      %mul3A_461 = arith.muli %div3A_459, %mul3A_460 : i32
      %add3A_462 = arith.addi %add3A_457, %mul3A_461 : i32
      %dma_wait3A_463 = arith.constant 0 : i32
      %dma_wait3A_464 = tpu.memref_slice %arg2[%add3A_462, %dma_wait3A_463] : memref<16384x1024xf32, #tpu.memory_space<hbm>> -> memref<8x1024xf32, #tpu.memory_space<hbm>>
      %dma_wait3A_465 = arith.constant 0 : i32
      %dma_wait3A_466 = tpu.memref_slice %arg2[%add3A_462, %dma_wait3A_465] : memref<16384x1024xf32, #tpu.memory_space<hbm>> -> memref<8x1024xf32, #tpu.memory_space<hbm>>
      tpu.wait_dma2 semaphore(%arg20 : memref<!tpu.dma_semaphore, #tpu.memory_space<semaphore_mem>>) src(%dma_wait3A_466 : memref<8x1024xf32, #tpu.memory_space<hbm>>) dst(%arg10 : memref<8x1024xf32, #tpu.memory_space<vmem>>)
      %scan3A_467 = arith.constant 0 : i32
      %scan3A_468 = arith.constant 0 : i32
      %scan3A_469 = arith.constant 64 : i32
      %scan3A_470 = arith.addi %scan3A_468, %scan3A_469 : i32
      %scan3A_471 = arith.constant 1 : i32
      scf.for %scan3A_620 = %scan3A_468 to %scan3A_470 step %scan3A_471  : i32 {
        %mul3A_621 = arith.constant 16 : i32
        %mul3A_622 = arith.muli %scan3A_620, %mul3A_621 : i32
        %get3A = arith.constant 0 : i32
        %get3A_623 = arith.index_cast %get3A : i32 to index
        %get3A_624 = arith.index_cast %mul3A_622 : i32 to index
        %get3A_625 = tpu.vector_load %arg14[%get3A_623, %get3A_624] {strides = array<i32>} : memref<8x1024xf32, #tpu.memory_space<vmem>>, vector<1x16xf32>,
        %get3A_626 = vector.shape_cast %get3A_625 : vector<1x16xf32> to vector<16xf32>
        %get3A_627 = arith.constant 1 : i32
        %get3A_628 = arith.index_cast %get3A_627 : i32 to index
        %get3A_629 = arith.index_cast %mul3A_622 : i32 to index
        %get3A_630 = tpu.vector_load %arg14[%get3A_628, %get3A_629] {strides = array<i32>} : memref<8x1024xf32, #tpu.memory_space<vmem>>, vector<1x16xf32>,
        %get3A_631 = vector.shape_cast %get3A_630 : vector<1x16xf32> to vector<16xf32>
        %get3A_632 = arith.constant 2 : i32
        %get3A_633 = arith.index_cast %get3A_632 : i32 to index
        %get3A_634 = arith.index_cast %mul3A_622 : i32 to index
        %get3A_635 = tpu.vector_load %arg14[%get3A_633, %get3A_634] {strides = array<i32>} : memref<8x1024xf32, #tpu.memory_space<vmem>>, vector<1x16xf32>,
        %get3A_636 = vector.shape_cast %get3A_635 : vector<1x16xf32> to vector<16xf32>
        %get3A_637 = arith.constant 3 : i32
        %get3A_638 = arith.index_cast %get3A_637 : i32 to index
        %get3A_639 = arith.index_cast %mul3A_622 : i32 to index
        %get3A_640 = tpu.vector_load %arg14[%get3A_638, %get3A_639] {strides = array<i32>} : memref<8x1024xf32, #tpu.memory_space<vmem>>, vector<1x16xf32>,
        %get3A_641 = vector.shape_cast %get3A_640 : vector<1x16xf32> to vector<16xf32>
        %get3A_642 = arith.constant 4 : i32
        %get3A_643 = arith.index_cast %get3A_642 : i32 to index
        %get3A_644 = arith.index_cast %mul3A_622 : i32 to index
        %get3A_645 = tpu.vector_load %arg14[%get3A_643, %get3A_644] {strides = array<i32>} : memref<8x1024xf32, #tpu.memory_space<vmem>>, vector<1x16xf32>,
        %get3A_646 = vector.shape_cast %get3A_645 : vector<1x16xf32> to vector<16xf32>
        %get3A_647 = arith.constant 5 : i32
        %get3A_648 = arith.index_cast %get3A_647 : i32 to index
        %get3A_649 = arith.index_cast %mul3A_622 : i32 to index
        %get3A_650 = tpu.vector_load %arg14[%get3A_648, %get3A_649] {strides = array<i32>} : memref<8x1024xf32, #tpu.memory_space<vmem>>, vector<1x16xf32>,
        %get3A_651 = vector.shape_cast %get3A_650 : vector<1x16xf32> to vector<16xf32>
        %get3A_652 = arith.constant 6 : i32
        %get3A_653 = arith.index_cast %get3A_652 : i32 to index
        %get3A_654 = arith.index_cast %mul3A_622 : i32 to index
        %get3A_655 = tpu.vector_load %arg14[%get3A_653, %get3A_654] {strides = array<i32>} : memref<8x1024xf32, #tpu.memory_space<vmem>>, vector<1x16xf32>,
        %get3A_656 = vector.shape_cast %get3A_655 : vector<1x16xf32> to vector<16xf32>
        %get3A_657 = arith.constant 7 : i32
        %get3A_658 = arith.index_cast %get3A_657 : i32 to index
        %get3A_659 = arith.index_cast %mul3A_622 : i32 to index
        %get3A_660 = tpu.vector_load %arg14[%get3A_658, %get3A_659] {strides = array<i32>} : memref<8x1024xf32, #tpu.memory_space<vmem>>, vector<1x16xf32>,
        %get3A_661 = vector.shape_cast %get3A_660 : vector<1x16xf32> to vector<16xf32>
        %swap3A = arith.constant 0 : i32
        %swap3A_662 = arith.index_cast %swap3A : i32 to index
        %swap3A_663 = arith.index_cast %mul3A_622 : i32 to index
        %swap3A_664 = tpu.vector_load %arg10[%swap3A_662, %swap3A_663] {strides = array<i32>} : memref<8x1024xf32, #tpu.memory_space<vmem>>, vector<1x16xf32>,
        %swap3A_665 = vector.shape_cast %swap3A_664 : vector<1x16xf32> to vector<16xf32>
        %swap3A_666 = vector.shape_cast %get3A_626 : vector<16xf32> to vector<1x16xf32>
        tpu.vector_store %arg10[%swap3A_662, %swap3A_663], %swap3A_666 {add = true, strides = array<i32>} : memref<8x1024xf32, #tpu.memory_space<vmem>>, vector<1x16xf32>,
        %swap3A_667 = arith.constant 1 : i32
        %swap3A_668 = arith.index_cast %swap3A_667 : i32 to index
        %swap3A_669 = arith.index_cast %mul3A_622 : i32 to index
        %swap3A_670 = tpu.vector_load %arg10[%swap3A_668, %swap3A_669] {strides = array<i32>} : memref<8x1024xf32, #tpu.memory_space<vmem>>, vector<1x16xf32>,
        %swap3A_671 = vector.shape_cast %swap3A_670 : vector<1x16xf32> to vector<16xf32>
        %swap3A_672 = vector.shape_cast %get3A_631 : vector<16xf32> to vector<1x16xf32>
        tpu.vector_store %arg10[%swap3A_668, %swap3A_669], %swap3A_672 {add = true, strides = array<i32>} : memref<8x1024xf32, #tpu.memory_space<vmem>>, vector<1x16xf32>,
        %swap3A_673 = arith.constant 2 : i32
        %swap3A_674 = arith.index_cast %swap3A_673 : i32 to index
        %swap3A_675 = arith.index_cast %mul3A_622 : i32 to index
        %swap3A_676 = tpu.vector_load %arg10[%swap3A_674, %swap3A_675] {strides = array<i32>} : memref<8x1024xf32, #tpu.memory_space<vmem>>, vector<1x16xf32>,
        %swap3A_677 = vector.shape_cast %swap3A_676 : vector<1x16xf32> to vector<16xf32>
        %swap3A_678 = vector.shape_cast %get3A_636 : vector<16xf32> to vector<1x16xf32>
        tpu.vector_store %arg10[%swap3A_674, %swap3A_675], %swap3A_678 {add = true, strides = array<i32>} : memref<8x1024xf32, #tpu.memory_space<vmem>>, vector<1x16xf32>,
        %swap3A_679 = arith.constant 3 : i32
        %swap3A_680 = arith.index_cast %swap3A_679 : i32 to index
        %swap3A_681 = arith.index_cast %mul3A_622 : i32 to index
        %swap3A_682 = tpu.vector_load %arg10[%swap3A_680, %swap3A_681] {strides = array<i32>} : memref<8x1024xf32, #tpu.memory_space<vmem>>, vector<1x16xf32>,
        %swap3A_683 = vector.shape_cast %swap3A_682 : vector<1x16xf32> to vector<16xf32>
        %swap3A_684 = vector.shape_cast %get3A_641 : vector<16xf32> to vector<1x16xf32>
        tpu.vector_store %arg10[%swap3A_680, %swap3A_681], %swap3A_684 {add = true, strides = array<i32>} : memref<8x1024xf32, #tpu.memory_space<vmem>>, vector<1x16xf32>,
        %swap3A_685 = arith.constant 4 : i32
        %swap3A_686 = arith.index_cast %swap3A_685 : i32 to index
        %swap3A_687 = arith.index_cast %mul3A_622 : i32 to index
        %swap3A_688 = tpu.vector_load %arg10[%swap3A_686, %swap3A_687] {strides = array<i32>} : memref<8x1024xf32, #tpu.memory_space<vmem>>, vector<1x16xf32>,
        %swap3A_689 = vector.shape_cast %swap3A_688 : vector<1x16xf32> to vector<16xf32>
        %swap3A_690 = vector.shape_cast %get3A_646 : vector<16xf32> to vector<1x16xf32>
        tpu.vector_store %arg10[%swap3A_686, %swap3A_687], %swap3A_690 {add = true, strides = array<i32>} : memref<8x1024xf32, #tpu.memory_space<vmem>>, vector<1x16xf32>,
        %swap3A_691 = arith.constant 5 : i32
        %swap3A_692 = arith.index_cast %swap3A_691 : i32 to index
        %swap3A_693 = arith.index_cast %mul3A_622 : i32 to index
        %swap3A_694 = tpu.vector_load %arg10[%swap3A_692, %swap3A_693] {strides = array<i32>} : memref<8x1024xf32, #tpu.memory_space<vmem>>, vector<1x16xf32>,
        %swap3A_695 = vector.shape_cast %swap3A_694 : vector<1x16xf32> to vector<16xf32>
        %swap3A_696 = vector.shape_cast %get3A_651 : vector<16xf32> to vector<1x16xf32>
        tpu.vector_store %arg10[%swap3A_692, %swap3A_693], %swap3A_696 {add = true, strides = array<i32>} : memref<8x1024xf32, #tpu.memory_space<vmem>>, vector<1x16xf32>,
        %swap3A_697 = arith.constant 6 : i32
        %swap3A_698 = arith.index_cast %swap3A_697 : i32 to index
        %swap3A_699 = arith.index_cast %mul3A_622 : i32 to index
        %swap3A_700 = tpu.vector_load %arg10[%swap3A_698, %swap3A_699] {strides = array<i32>} : memref<8x1024xf32, #tpu.memory_space<vmem>>, vector<1x16xf32>,
        %swap3A_701 = vector.shape_cast %swap3A_700 : vector<1x16xf32> to vector<16xf32>
        %swap3A_702 = vector.shape_cast %get3A_656 : vector<16xf32> to vector<1x16xf32>
        tpu.vector_store %arg10[%swap3A_698, %swap3A_699], %swap3A_702 {add = true, strides = array<i32>} : memref<8x1024xf32, #tpu.memory_space<vmem>>, vector<1x16xf32>,
        %swap3A_703 = arith.constant 7 : i32
        %swap3A_704 = arith.index_cast %swap3A_703 : i32 to index
        %swap3A_705 = arith.index_cast %mul3A_622 : i32 to index
        %swap3A_706 = tpu.vector_load %arg10[%swap3A_704, %swap3A_705] {strides = array<i32>} : memref<8x1024xf32, #tpu.memory_space<vmem>>, vector<1x16xf32>,
        %swap3A_707 = vector.shape_cast %swap3A_706 : vector<1x16xf32> to vector<16xf32>
        %swap3A_708 = vector.shape_cast %get3A_661 : vector<16xf32> to vector<1x16xf32>
        tpu.vector_store %arg10[%swap3A_704, %swap3A_705], %swap3A_708 {add = true, strides = array<i32>} : memref<8x1024xf32, #tpu.memory_space<vmem>>, vector<1x16xf32>,
      }
      %scan3A_472 = arith.constant 64 : i32
      %rem3A_473 = arith.constant 4 : i32
      %rem3A_474 = arith.remsi %add3A_448, %rem3A_473 : i32
      %mul3A_475 = arith.constant 4096 : i32
      %mul3A_476 = arith.muli %rem3A_474, %mul3A_475 : i32
      %add3A_477 = arith.addi %mul3A_476, %mul3A_2 : i32
      %div3A_478 = arith.constant 4 : i32
      %div3A_479 = arith.divsi %add3A_448, %div3A_478 : i32
      %mul3A_480 = arith.constant 8 : i32
      %mul3A_481 = arith.muli %div3A_479, %mul3A_480 : i32
      %add3A_482 = arith.addi %add3A_477, %mul3A_481 : i32
      %dma_start3A_483 = arith.constant 0 : i32
      %dma_start3A_484 = tpu.memref_slice %arg4[%add3A_482, %dma_start3A_483] : memref<16384x1024xf32, #tpu.memory_space<hbm>> -> memref<8x1024xf32, #tpu.memory_space<hbm>>
      %dma_start3A_485 = arith.constant 0 : i32
      %dma_start3A_486 = tpu.memref_slice %arg4[%add3A_482, %dma_start3A_485] : memref<16384x1024xf32, #tpu.memory_space<hbm>> -> memref<8x1024xf32, #tpu.memory_space<hbm>>
      tpu.enqueue_dma source(%arg10 : memref<8x1024xf32, #tpu.memory_space<vmem>>) target(%dma_start3A_486 : memref<8x1024xf32, #tpu.memory_space<hbm>>) target_semaphore(%arg28 : memref<!tpu.dma_semaphore, #tpu.memory_space<semaphore_mem>>)
      %sub3A_487 = arith.constant 4 : i32
      %sub3A_488 = arith.subi %add3A_448, %sub3A_487 : i32
      %add3A_489 = arith.constant 4 : i32
      %add3A_490 = arith.addi %add3A_448, %add3A_489 : i32
      %ge3A_491 = arith.constant 0 : i32
      %ge3A_492 = arith.cmpi sge, %sub3A_488, %ge3A_491 : i32
      %convert_element_type3A_493 = arith.extui %ge3A_492 : i1 to i32
      %cond3A_494 = arith.constant 0 : i32
      %cond3A_495 = arith.cmpi ne, %convert_element_type3A_493, %cond3A_494 : i32
      scf.if %cond3A_495 {
        %rem3A_620 = arith.constant 4 : i32
        %rem3A_621 = arith.remsi %sub3A_488, %rem3A_620 : i32
        %mul3A_622 = arith.constant 4096 : i32
        %mul3A_623 = arith.muli %rem3A_621, %mul3A_622 : i32
        %add3A_624 = arith.addi %mul3A_623, %mul3A_2 : i32
        %div3A_625 = arith.constant 4 : i32
        %div3A_626 = arith.divsi %sub3A_488, %div3A_625 : i32
        %mul3A_627 = arith.constant 8 : i32
        %mul3A_628 = arith.muli %div3A_626, %mul3A_627 : i32
        %add3A_629 = arith.addi %add3A_624, %mul3A_628 : i32
        %dma_wait3A_630 = arith.constant 0 : i32
        %dma_wait3A_631 = tpu.memref_slice %arg4[%add3A_629, %dma_wait3A_630] : memref<16384x1024xf32, #tpu.memory_space<hbm>> -> memref<8x1024xf32, #tpu.memory_space<hbm>>
        %dma_wait3A_632 = arith.constant 0 : i32
        %dma_wait3A_633 = tpu.memref_slice %arg4[%add3A_629, %dma_wait3A_632] : memref<16384x1024xf32, #tpu.memory_space<hbm>> -> memref<8x1024xf32, #tpu.memory_space<hbm>>
        tpu.wait_dma2 semaphore(%arg24 : memref<!tpu.dma_semaphore, #tpu.memory_space<semaphore_mem>>) src(%arg6 : memref<8x1024xf32, #tpu.memory_space<vmem>>) dst(%dma_wait3A_633 : memref<8x1024xf32, #tpu.memory_space<hbm>>)
      } else {
      }
      %lt3A_496 = arith.constant 64 : i32
      %lt3A_497 = arith.cmpi slt, %add3A_490, %lt3A_496 : i32
      %convert_element_type3A_498 = arith.extui %lt3A_497 : i1 to i32
      %cond3A_499 = arith.constant 0 : i32
      %cond3A_500 = arith.cmpi ne, %convert_element_type3A_498, %cond3A_499 : i32
      scf.if %cond3A_500 {
        %rem3A_620 = arith.constant 4 : i32
        %rem3A_621 = arith.remsi %add3A_490, %rem3A_620 : i32
        %mul3A_622 = arith.constant 4096 : i32
        %mul3A_623 = arith.muli %rem3A_621, %mul3A_622 : i32
        %add3A_624 = arith.addi %mul3A_623, %mul3A_2 : i32
        %div3A_625 = arith.constant 4 : i32
        %div3A_626 = arith.divsi %add3A_490, %div3A_625 : i32
        %mul3A_627 = arith.constant 8 : i32
        %mul3A_628 = arith.muli %div3A_626, %mul3A_627 : i32
        %add3A_629 = arith.addi %add3A_624, %mul3A_628 : i32
        %dma_start3A_630 = arith.constant 0 : i32
        %dma_start3A_631 = tpu.memref_slice %arg2[%add3A_629, %dma_start3A_630] : memref<16384x1024xf32, #tpu.memory_space<hbm>> -> memref<8x1024xf32, #tpu.memory_space<hbm>>
        %dma_start3A_632 = arith.constant 0 : i32
        %dma_start3A_633 = tpu.memref_slice %arg2[%add3A_629, %dma_start3A_632] : memref<16384x1024xf32, #tpu.memory_space<hbm>> -> memref<8x1024xf32, #tpu.memory_space<hbm>>
        tpu.enqueue_dma source(%dma_start3A_633 : memref<8x1024xf32, #tpu.memory_space<hbm>>) target(%arg6 : memref<8x1024xf32, #tpu.memory_space<vmem>>) target_semaphore(%arg16 : memref<!tpu.dma_semaphore, #tpu.memory_space<semaphore_mem>>)
      } else {
      }
      %mul3A_501 = arith.constant 8 : i32
      %mul3A_502 = arith.muli %mul3A_501, %scan3A_148 : i32
      %add3A_503 = arith.constant 6 : i32
      %add3A_504 = arith.addi %mul3A_502, %add3A_503 : i32
      %mul3A_505 = arith.constant 2 : i32
      %mul3A_506 = arith.muli %mul3A_505, %scan3A_148 : i32
      %add3A_507 = arith.constant 1 : i32
      %add3A_508 = arith.addi %mul3A_506, %add3A_507 : i32
      %rem3A_509 = arith.constant 4 : i32
      %rem3A_510 = arith.remsi %add3A_504, %rem3A_509 : i32
      %mul3A_511 = arith.constant 4096 : i32
      %mul3A_512 = arith.muli %rem3A_510, %mul3A_511 : i32
      %add3A_513 = arith.addi %mul3A_512, %mul3A_2 : i32
      %div3A_514 = arith.constant 4 : i32
      %div3A_515 = arith.divsi %add3A_504, %div3A_514 : i32
      %mul3A_516 = arith.constant 8 : i32
      %mul3A_517 = arith.muli %div3A_515, %mul3A_516 : i32
      %add3A_518 = arith.addi %add3A_513, %mul3A_517 : i32
      %dma_wait3A_519 = arith.constant 0 : i32
      %dma_wait3A_520 = tpu.memref_slice %arg2[%add3A_518, %dma_wait3A_519] : memref<16384x1024xf32, #tpu.memory_space<hbm>> -> memref<8x1024xf32, #tpu.memory_space<hbm>>
      %dma_wait3A_521 = arith.constant 0 : i32
      %dma_wait3A_522 = tpu.memref_slice %arg2[%add3A_518, %dma_wait3A_521] : memref<16384x1024xf32, #tpu.memory_space<hbm>> -> memref<8x1024xf32, #tpu.memory_space<hbm>>
      tpu.wait_dma2 semaphore(%arg21 : memref<!tpu.dma_semaphore, #tpu.memory_space<semaphore_mem>>) src(%dma_wait3A_522 : memref<8x1024xf32, #tpu.memory_space<hbm>>) dst(%arg11 : memref<8x1024xf32, #tpu.memory_space<vmem>>)
      %scan3A_523 = arith.constant 0 : i32
      %scan3A_524 = arith.constant 0 : i32
      %scan3A_525 = arith.constant 64 : i32
      %scan3A_526 = arith.addi %scan3A_524, %scan3A_525 : i32
      %scan3A_527 = arith.constant 1 : i32
      scf.for %scan3A_620 = %scan3A_524 to %scan3A_526 step %scan3A_527  : i32 {
        %mul3A_621 = arith.constant 16 : i32
        %mul3A_622 = arith.muli %scan3A_620, %mul3A_621 : i32
        %get3A = arith.constant 0 : i32
        %get3A_623 = arith.index_cast %get3A : i32 to index
        %get3A_624 = arith.index_cast %mul3A_622 : i32 to index
        %get3A_625 = tpu.vector_load %arg14[%get3A_623, %get3A_624] {strides = array<i32>} : memref<8x1024xf32, #tpu.memory_space<vmem>>, vector<1x16xf32>,
        %get3A_626 = vector.shape_cast %get3A_625 : vector<1x16xf32> to vector<16xf32>
        %get3A_627 = arith.constant 1 : i32
        %get3A_628 = arith.index_cast %get3A_627 : i32 to index
        %get3A_629 = arith.index_cast %mul3A_622 : i32 to index
        %get3A_630 = tpu.vector_load %arg14[%get3A_628, %get3A_629] {strides = array<i32>} : memref<8x1024xf32, #tpu.memory_space<vmem>>, vector<1x16xf32>,
        %get3A_631 = vector.shape_cast %get3A_630 : vector<1x16xf32> to vector<16xf32>
        %get3A_632 = arith.constant 2 : i32
        %get3A_633 = arith.index_cast %get3A_632 : i32 to index
        %get3A_634 = arith.index_cast %mul3A_622 : i32 to index
        %get3A_635 = tpu.vector_load %arg14[%get3A_633, %get3A_634] {strides = array<i32>} : memref<8x1024xf32, #tpu.memory_space<vmem>>, vector<1x16xf32>,
        %get3A_636 = vector.shape_cast %get3A_635 : vector<1x16xf32> to vector<16xf32>
        %get3A_637 = arith.constant 3 : i32
        %get3A_638 = arith.index_cast %get3A_637 : i32 to index
        %get3A_639 = arith.index_cast %mul3A_622 : i32 to index
        %get3A_640 = tpu.vector_load %arg14[%get3A_638, %get3A_639] {strides = array<i32>} : memref<8x1024xf32, #tpu.memory_space<vmem>>, vector<1x16xf32>,
        %get3A_641 = vector.shape_cast %get3A_640 : vector<1x16xf32> to vector<16xf32>
        %get3A_642 = arith.constant 4 : i32
        %get3A_643 = arith.index_cast %get3A_642 : i32 to index
        %get3A_644 = arith.index_cast %mul3A_622 : i32 to index
        %get3A_645 = tpu.vector_load %arg14[%get3A_643, %get3A_644] {strides = array<i32>} : memref<8x1024xf32, #tpu.memory_space<vmem>>, vector<1x16xf32>,
        %get3A_646 = vector.shape_cast %get3A_645 : vector<1x16xf32> to vector<16xf32>
        %get3A_647 = arith.constant 5 : i32
        %get3A_648 = arith.index_cast %get3A_647 : i32 to index
        %get3A_649 = arith.index_cast %mul3A_622 : i32 to index
        %get3A_650 = tpu.vector_load %arg14[%get3A_648, %get3A_649] {strides = array<i32>} : memref<8x1024xf32, #tpu.memory_space<vmem>>, vector<1x16xf32>,
        %get3A_651 = vector.shape_cast %get3A_650 : vector<1x16xf32> to vector<16xf32>
        %get3A_652 = arith.constant 6 : i32
        %get3A_653 = arith.index_cast %get3A_652 : i32 to index
        %get3A_654 = arith.index_cast %mul3A_622 : i32 to index
        %get3A_655 = tpu.vector_load %arg14[%get3A_653, %get3A_654] {strides = array<i32>} : memref<8x1024xf32, #tpu.memory_space<vmem>>, vector<1x16xf32>,
        %get3A_656 = vector.shape_cast %get3A_655 : vector<1x16xf32> to vector<16xf32>
        %get3A_657 = arith.constant 7 : i32
        %get3A_658 = arith.index_cast %get3A_657 : i32 to index
        %get3A_659 = arith.index_cast %mul3A_622 : i32 to index
        %get3A_660 = tpu.vector_load %arg14[%get3A_658, %get3A_659] {strides = array<i32>} : memref<8x1024xf32, #tpu.memory_space<vmem>>, vector<1x16xf32>,
        %get3A_661 = vector.shape_cast %get3A_660 : vector<1x16xf32> to vector<16xf32>
        %swap3A = arith.constant 0 : i32
        %swap3A_662 = arith.index_cast %swap3A : i32 to index
        %swap3A_663 = arith.index_cast %mul3A_622 : i32 to index
        %swap3A_664 = tpu.vector_load %arg11[%swap3A_662, %swap3A_663] {strides = array<i32>} : memref<8x1024xf32, #tpu.memory_space<vmem>>, vector<1x16xf32>,
        %swap3A_665 = vector.shape_cast %swap3A_664 : vector<1x16xf32> to vector<16xf32>
        %swap3A_666 = vector.shape_cast %get3A_626 : vector<16xf32> to vector<1x16xf32>
        tpu.vector_store %arg11[%swap3A_662, %swap3A_663], %swap3A_666 {add = true, strides = array<i32>} : memref<8x1024xf32, #tpu.memory_space<vmem>>, vector<1x16xf32>,
        %swap3A_667 = arith.constant 1 : i32
        %swap3A_668 = arith.index_cast %swap3A_667 : i32 to index
        %swap3A_669 = arith.index_cast %mul3A_622 : i32 to index
        %swap3A_670 = tpu.vector_load %arg11[%swap3A_668, %swap3A_669] {strides = array<i32>} : memref<8x1024xf32, #tpu.memory_space<vmem>>, vector<1x16xf32>,
        %swap3A_671 = vector.shape_cast %swap3A_670 : vector<1x16xf32> to vector<16xf32>
        %swap3A_672 = vector.shape_cast %get3A_631 : vector<16xf32> to vector<1x16xf32>
        tpu.vector_store %arg11[%swap3A_668, %swap3A_669], %swap3A_672 {add = true, strides = array<i32>} : memref<8x1024xf32, #tpu.memory_space<vmem>>, vector<1x16xf32>,
        %swap3A_673 = arith.constant 2 : i32
        %swap3A_674 = arith.index_cast %swap3A_673 : i32 to index
        %swap3A_675 = arith.index_cast %mul3A_622 : i32 to index
        %swap3A_676 = tpu.vector_load %arg11[%swap3A_674, %swap3A_675] {strides = array<i32>} : memref<8x1024xf32, #tpu.memory_space<vmem>>, vector<1x16xf32>,
        %swap3A_677 = vector.shape_cast %swap3A_676 : vector<1x16xf32> to vector<16xf32>
        %swap3A_678 = vector.shape_cast %get3A_636 : vector<16xf32> to vector<1x16xf32>
        tpu.vector_store %arg11[%swap3A_674, %swap3A_675], %swap3A_678 {add = true, strides = array<i32>} : memref<8x1024xf32, #tpu.memory_space<vmem>>, vector<1x16xf32>,
        %swap3A_679 = arith.constant 3 : i32
        %swap3A_680 = arith.index_cast %swap3A_679 : i32 to index
        %swap3A_681 = arith.index_cast %mul3A_622 : i32 to index
        %swap3A_682 = tpu.vector_load %arg11[%swap3A_680, %swap3A_681] {strides = array<i32>} : memref<8x1024xf32, #tpu.memory_space<vmem>>, vector<1x16xf32>,
        %swap3A_683 = vector.shape_cast %swap3A_682 : vector<1x16xf32> to vector<16xf32>
        %swap3A_684 = vector.shape_cast %get3A_641 : vector<16xf32> to vector<1x16xf32>
        tpu.vector_store %arg11[%swap3A_680, %swap3A_681], %swap3A_684 {add = true, strides = array<i32>} : memref<8x1024xf32, #tpu.memory_space<vmem>>, vector<1x16xf32>,
        %swap3A_685 = arith.constant 4 : i32
        %swap3A_686 = arith.index_cast %swap3A_685 : i32 to index
        %swap3A_687 = arith.index_cast %mul3A_622 : i32 to index
        %swap3A_688 = tpu.vector_load %arg11[%swap3A_686, %swap3A_687] {strides = array<i32>} : memref<8x1024xf32, #tpu.memory_space<vmem>>, vector<1x16xf32>,
        %swap3A_689 = vector.shape_cast %swap3A_688 : vector<1x16xf32> to vector<16xf32>
        %swap3A_690 = vector.shape_cast %get3A_646 : vector<16xf32> to vector<1x16xf32>
        tpu.vector_store %arg11[%swap3A_686, %swap3A_687], %swap3A_690 {add = true, strides = array<i32>} : memref<8x1024xf32, #tpu.memory_space<vmem>>, vector<1x16xf32>,
        %swap3A_691 = arith.constant 5 : i32
        %swap3A_692 = arith.index_cast %swap3A_691 : i32 to index
        %swap3A_693 = arith.index_cast %mul3A_622 : i32 to index
        %swap3A_694 = tpu.vector_load %arg11[%swap3A_692, %swap3A_693] {strides = array<i32>} : memref<8x1024xf32, #tpu.memory_space<vmem>>, vector<1x16xf32>,
        %swap3A_695 = vector.shape_cast %swap3A_694 : vector<1x16xf32> to vector<16xf32>
        %swap3A_696 = vector.shape_cast %get3A_651 : vector<16xf32> to vector<1x16xf32>
        tpu.vector_store %arg11[%swap3A_692, %swap3A_693], %swap3A_696 {add = true, strides = array<i32>} : memref<8x1024xf32, #tpu.memory_space<vmem>>, vector<1x16xf32>,
        %swap3A_697 = arith.constant 6 : i32
        %swap3A_698 = arith.index_cast %swap3A_697 : i32 to index
        %swap3A_699 = arith.index_cast %mul3A_622 : i32 to index
        %swap3A_700 = tpu.vector_load %arg11[%swap3A_698, %swap3A_699] {strides = array<i32>} : memref<8x1024xf32, #tpu.memory_space<vmem>>, vector<1x16xf32>,
        %swap3A_701 = vector.shape_cast %swap3A_700 : vector<1x16xf32> to vector<16xf32>
        %swap3A_702 = vector.shape_cast %get3A_656 : vector<16xf32> to vector<1x16xf32>
        tpu.vector_store %arg11[%swap3A_698, %swap3A_699], %swap3A_702 {add = true, strides = array<i32>} : memref<8x1024xf32, #tpu.memory_space<vmem>>, vector<1x16xf32>,
        %swap3A_703 = arith.constant 7 : i32
        %swap3A_704 = arith.index_cast %swap3A_703 : i32 to index
        %swap3A_705 = arith.index_cast %mul3A_622 : i32 to index
        %swap3A_706 = tpu.vector_load %arg11[%swap3A_704, %swap3A_705] {strides = array<i32>} : memref<8x1024xf32, #tpu.memory_space<vmem>>, vector<1x16xf32>,
        %swap3A_707 = vector.shape_cast %swap3A_706 : vector<1x16xf32> to vector<16xf32>
        %swap3A_708 = vector.shape_cast %get3A_661 : vector<16xf32> to vector<1x16xf32>
        tpu.vector_store %arg11[%swap3A_704, %swap3A_705], %swap3A_708 {add = true, strides = array<i32>} : memref<8x1024xf32, #tpu.memory_space<vmem>>, vector<1x16xf32>,
      }
      %scan3A_528 = arith.constant 64 : i32
      %rem3A_529 = arith.constant 4 : i32
      %rem3A_530 = arith.remsi %add3A_504, %rem3A_529 : i32
      %mul3A_531 = arith.constant 4096 : i32
      %mul3A_532 = arith.muli %rem3A_530, %mul3A_531 : i32
      %add3A_533 = arith.addi %mul3A_532, %mul3A_2 : i32
      %div3A_534 = arith.constant 4 : i32
      %div3A_535 = arith.divsi %add3A_504, %div3A_534 : i32
      %mul3A_536 = arith.constant 8 : i32
      %mul3A_537 = arith.muli %div3A_535, %mul3A_536 : i32
      %add3A_538 = arith.addi %add3A_533, %mul3A_537 : i32
      %dma_start3A_539 = arith.constant 0 : i32
      %dma_start3A_540 = tpu.memref_slice %arg4[%add3A_538, %dma_start3A_539] : memref<16384x1024xf32, #tpu.memory_space<hbm>> -> memref<8x1024xf32, #tpu.memory_space<hbm>>
      %dma_start3A_541 = arith.constant 0 : i32
      %dma_start3A_542 = tpu.memref_slice %arg4[%add3A_538, %dma_start3A_541] : memref<16384x1024xf32, #tpu.memory_space<hbm>> -> memref<8x1024xf32, #tpu.memory_space<hbm>>
      tpu.enqueue_dma source(%arg11 : memref<8x1024xf32, #tpu.memory_space<vmem>>) target(%dma_start3A_542 : memref<8x1024xf32, #tpu.memory_space<hbm>>) target_semaphore(%arg29 : memref<!tpu.dma_semaphore, #tpu.memory_space<semaphore_mem>>)
      %sub3A_543 = arith.constant 4 : i32
      %sub3A_544 = arith.subi %add3A_504, %sub3A_543 : i32
      %add3A_545 = arith.constant 4 : i32
      %add3A_546 = arith.addi %add3A_504, %add3A_545 : i32
      %ge3A_547 = arith.constant 0 : i32
      %ge3A_548 = arith.cmpi sge, %sub3A_544, %ge3A_547 : i32
      %convert_element_type3A_549 = arith.extui %ge3A_548 : i1 to i32
      %cond3A_550 = arith.constant 0 : i32
      %cond3A_551 = arith.cmpi ne, %convert_element_type3A_549, %cond3A_550 : i32
      scf.if %cond3A_551 {
        %rem3A_620 = arith.constant 4 : i32
        %rem3A_621 = arith.remsi %sub3A_544, %rem3A_620 : i32
        %mul3A_622 = arith.constant 4096 : i32
        %mul3A_623 = arith.muli %rem3A_621, %mul3A_622 : i32
        %add3A_624 = arith.addi %mul3A_623, %mul3A_2 : i32
        %div3A_625 = arith.constant 4 : i32
        %div3A_626 = arith.divsi %sub3A_544, %div3A_625 : i32
        %mul3A_627 = arith.constant 8 : i32
        %mul3A_628 = arith.muli %div3A_626, %mul3A_627 : i32
        %add3A_629 = arith.addi %add3A_624, %mul3A_628 : i32
        %dma_wait3A_630 = arith.constant 0 : i32
        %dma_wait3A_631 = tpu.memref_slice %arg4[%add3A_629, %dma_wait3A_630] : memref<16384x1024xf32, #tpu.memory_space<hbm>> -> memref<8x1024xf32, #tpu.memory_space<hbm>>
        %dma_wait3A_632 = arith.constant 0 : i32
        %dma_wait3A_633 = tpu.memref_slice %arg4[%add3A_629, %dma_wait3A_632] : memref<16384x1024xf32, #tpu.memory_space<hbm>> -> memref<8x1024xf32, #tpu.memory_space<hbm>>
        tpu.wait_dma2 semaphore(%arg25 : memref<!tpu.dma_semaphore, #tpu.memory_space<semaphore_mem>>) src(%arg7 : memref<8x1024xf32, #tpu.memory_space<vmem>>) dst(%dma_wait3A_633 : memref<8x1024xf32, #tpu.memory_space<hbm>>)
      } else {
      }
      %lt3A_552 = arith.constant 64 : i32
      %lt3A_553 = arith.cmpi slt, %add3A_546, %lt3A_552 : i32
      %convert_element_type3A_554 = arith.extui %lt3A_553 : i1 to i32
      %cond3A_555 = arith.constant 0 : i32
      %cond3A_556 = arith.cmpi ne, %convert_element_type3A_554, %cond3A_555 : i32
      scf.if %cond3A_556 {
        %rem3A_620 = arith.constant 4 : i32
        %rem3A_621 = arith.remsi %add3A_546, %rem3A_620 : i32
        %mul3A_622 = arith.constant 4096 : i32
        %mul3A_623 = arith.muli %rem3A_621, %mul3A_622 : i32
        %add3A_624 = arith.addi %mul3A_623, %mul3A_2 : i32
        %div3A_625 = arith.constant 4 : i32
        %div3A_626 = arith.divsi %add3A_546, %div3A_625 : i32
        %mul3A_627 = arith.constant 8 : i32
        %mul3A_628 = arith.muli %div3A_626, %mul3A_627 : i32
        %add3A_629 = arith.addi %add3A_624, %mul3A_628 : i32
        %dma_start3A_630 = arith.constant 0 : i32
        %dma_start3A_631 = tpu.memref_slice %arg2[%add3A_629, %dma_start3A_630] : memref<16384x1024xf32, #tpu.memory_space<hbm>> -> memref<8x1024xf32, #tpu.memory_space<hbm>>
        %dma_start3A_632 = arith.constant 0 : i32
        %dma_start3A_633 = tpu.memref_slice %arg2[%add3A_629, %dma_start3A_632] : memref<16384x1024xf32, #tpu.memory_space<hbm>> -> memref<8x1024xf32, #tpu.memory_space<hbm>>
        tpu.enqueue_dma source(%dma_start3A_633 : memref<8x1024xf32, #tpu.memory_space<hbm>>) target(%arg7 : memref<8x1024xf32, #tpu.memory_space<vmem>>) target_semaphore(%arg17 : memref<!tpu.dma_semaphore, #tpu.memory_space<semaphore_mem>>)
      } else {
      }
      %mul3A_557 = arith.constant 8 : i32
      %mul3A_558 = arith.muli %mul3A_557, %scan3A_148 : i32
      %add3A_559 = arith.constant 7 : i32
      %add3A_560 = arith.addi %mul3A_558, %add3A_559 : i32
      %mul3A_561 = arith.constant 2 : i32
      %mul3A_562 = arith.muli %mul3A_561, %scan3A_148 : i32
      %add3A_563 = arith.constant 1 : i32
      %add3A_564 = arith.addi %mul3A_562, %add3A_563 : i32
      %rem3A_565 = arith.constant 4 : i32
      %rem3A_566 = arith.remsi %add3A_560, %rem3A_565 : i32
      %mul3A_567 = arith.constant 4096 : i32
      %mul3A_568 = arith.muli %rem3A_566, %mul3A_567 : i32
      %add3A_569 = arith.addi %mul3A_568, %mul3A_2 : i32
      %div3A_570 = arith.constant 4 : i32
      %div3A_571 = arith.divsi %add3A_560, %div3A_570 : i32
      %mul3A_572 = arith.constant 8 : i32
      %mul3A_573 = arith.muli %div3A_571, %mul3A_572 : i32
      %add3A_574 = arith.addi %add3A_569, %mul3A_573 : i32
      %dma_wait3A_575 = arith.constant 0 : i32
      %dma_wait3A_576 = tpu.memref_slice %arg2[%add3A_574, %dma_wait3A_575] : memref<16384x1024xf32, #tpu.memory_space<hbm>> -> memref<8x1024xf32, #tpu.memory_space<hbm>>
      %dma_wait3A_577 = arith.constant 0 : i32
      %dma_wait3A_578 = tpu.memref_slice %arg2[%add3A_574, %dma_wait3A_577] : memref<16384x1024xf32, #tpu.memory_space<hbm>> -> memref<8x1024xf32, #tpu.memory_space<hbm>>
      tpu.wait_dma2 semaphore(%arg22 : memref<!tpu.dma_semaphore, #tpu.memory_space<semaphore_mem>>) src(%dma_wait3A_578 : memref<8x1024xf32, #tpu.memory_space<hbm>>) dst(%arg12 : memref<8x1024xf32, #tpu.memory_space<vmem>>)
      %scan3A_579 = arith.constant 0 : i32
      %scan3A_580 = arith.constant 0 : i32
      %scan3A_581 = arith.constant 64 : i32
      %scan3A_582 = arith.addi %scan3A_580, %scan3A_581 : i32
      %scan3A_583 = arith.constant 1 : i32
      scf.for %scan3A_620 = %scan3A_580 to %scan3A_582 step %scan3A_583  : i32 {
        %mul3A_621 = arith.constant 16 : i32
        %mul3A_622 = arith.muli %scan3A_620, %mul3A_621 : i32
        %get3A = arith.constant 0 : i32
        %get3A_623 = arith.index_cast %get3A : i32 to index
        %get3A_624 = arith.index_cast %mul3A_622 : i32 to index
        %get3A_625 = tpu.vector_load %arg14[%get3A_623, %get3A_624] {strides = array<i32>} : memref<8x1024xf32, #tpu.memory_space<vmem>>, vector<1x16xf32>,
        %get3A_626 = vector.shape_cast %get3A_625 : vector<1x16xf32> to vector<16xf32>
        %get3A_627 = arith.constant 1 : i32
        %get3A_628 = arith.index_cast %get3A_627 : i32 to index
        %get3A_629 = arith.index_cast %mul3A_622 : i32 to index
        %get3A_630 = tpu.vector_load %arg14[%get3A_628, %get3A_629] {strides = array<i32>} : memref<8x1024xf32, #tpu.memory_space<vmem>>, vector<1x16xf32>,
        %get3A_631 = vector.shape_cast %get3A_630 : vector<1x16xf32> to vector<16xf32>
        %get3A_632 = arith.constant 2 : i32
        %get3A_633 = arith.index_cast %get3A_632 : i32 to index
        %get3A_634 = arith.index_cast %mul3A_622 : i32 to index
        %get3A_635 = tpu.vector_load %arg14[%get3A_633, %get3A_634] {strides = array<i32>} : memref<8x1024xf32, #tpu.memory_space<vmem>>, vector<1x16xf32>,
        %get3A_636 = vector.shape_cast %get3A_635 : vector<1x16xf32> to vector<16xf32>
        %get3A_637 = arith.constant 3 : i32
        %get3A_638 = arith.index_cast %get3A_637 : i32 to index
        %get3A_639 = arith.index_cast %mul3A_622 : i32 to index
        %get3A_640 = tpu.vector_load %arg14[%get3A_638, %get3A_639] {strides = array<i32>} : memref<8x1024xf32, #tpu.memory_space<vmem>>, vector<1x16xf32>,
        %get3A_641 = vector.shape_cast %get3A_640 : vector<1x16xf32> to vector<16xf32>
        %get3A_642 = arith.constant 4 : i32
        %get3A_643 = arith.index_cast %get3A_642 : i32 to index
        %get3A_644 = arith.index_cast %mul3A_622 : i32 to index
        %get3A_645 = tpu.vector_load %arg14[%get3A_643, %get3A_644] {strides = array<i32>} : memref<8x1024xf32, #tpu.memory_space<vmem>>, vector<1x16xf32>,
        %get3A_646 = vector.shape_cast %get3A_645 : vector<1x16xf32> to vector<16xf32>
        %get3A_647 = arith.constant 5 : i32
        %get3A_648 = arith.index_cast %get3A_647 : i32 to index
        %get3A_649 = arith.index_cast %mul3A_622 : i32 to index
        %get3A_650 = tpu.vector_load %arg14[%get3A_648, %get3A_649] {strides = array<i32>} : memref<8x1024xf32, #tpu.memory_space<vmem>>, vector<1x16xf32>,
        %get3A_651 = vector.shape_cast %get3A_650 : vector<1x16xf32> to vector<16xf32>
        %get3A_652 = arith.constant 6 : i32
        %get3A_653 = arith.index_cast %get3A_652 : i32 to index
        %get3A_654 = arith.index_cast %mul3A_622 : i32 to index
        %get3A_655 = tpu.vector_load %arg14[%get3A_653, %get3A_654] {strides = array<i32>} : memref<8x1024xf32, #tpu.memory_space<vmem>>, vector<1x16xf32>,
        %get3A_656 = vector.shape_cast %get3A_655 : vector<1x16xf32> to vector<16xf32>
        %get3A_657 = arith.constant 7 : i32
        %get3A_658 = arith.index_cast %get3A_657 : i32 to index
        %get3A_659 = arith.index_cast %mul3A_622 : i32 to index
        %get3A_660 = tpu.vector_load %arg14[%get3A_658, %get3A_659] {strides = array<i32>} : memref<8x1024xf32, #tpu.memory_space<vmem>>, vector<1x16xf32>,
        %get3A_661 = vector.shape_cast %get3A_660 : vector<1x16xf32> to vector<16xf32>
        %swap3A = arith.constant 0 : i32
        %swap3A_662 = arith.index_cast %swap3A : i32 to index
        %swap3A_663 = arith.index_cast %mul3A_622 : i32 to index
        %swap3A_664 = tpu.vector_load %arg12[%swap3A_662, %swap3A_663] {strides = array<i32>} : memref<8x1024xf32, #tpu.memory_space<vmem>>, vector<1x16xf32>,
        %swap3A_665 = vector.shape_cast %swap3A_664 : vector<1x16xf32> to vector<16xf32>
        %swap3A_666 = vector.shape_cast %get3A_626 : vector<16xf32> to vector<1x16xf32>
        tpu.vector_store %arg12[%swap3A_662, %swap3A_663], %swap3A_666 {add = true, strides = array<i32>} : memref<8x1024xf32, #tpu.memory_space<vmem>>, vector<1x16xf32>,
        %swap3A_667 = arith.constant 1 : i32
        %swap3A_668 = arith.index_cast %swap3A_667 : i32 to index
        %swap3A_669 = arith.index_cast %mul3A_622 : i32 to index
        %swap3A_670 = tpu.vector_load %arg12[%swap3A_668, %swap3A_669] {strides = array<i32>} : memref<8x1024xf32, #tpu.memory_space<vmem>>, vector<1x16xf32>,
        %swap3A_671 = vector.shape_cast %swap3A_670 : vector<1x16xf32> to vector<16xf32>
        %swap3A_672 = vector.shape_cast %get3A_631 : vector<16xf32> to vector<1x16xf32>
        tpu.vector_store %arg12[%swap3A_668, %swap3A_669], %swap3A_672 {add = true, strides = array<i32>} : memref<8x1024xf32, #tpu.memory_space<vmem>>, vector<1x16xf32>,
        %swap3A_673 = arith.constant 2 : i32
        %swap3A_674 = arith.index_cast %swap3A_673 : i32 to index
        %swap3A_675 = arith.index_cast %mul3A_622 : i32 to index
        %swap3A_676 = tpu.vector_load %arg12[%swap3A_674, %swap3A_675] {strides = array<i32>} : memref<8x1024xf32, #tpu.memory_space<vmem>>, vector<1x16xf32>,
        %swap3A_677 = vector.shape_cast %swap3A_676 : vector<1x16xf32> to vector<16xf32>
        %swap3A_678 = vector.shape_cast %get3A_636 : vector<16xf32> to vector<1x16xf32>
        tpu.vector_store %arg12[%swap3A_674, %swap3A_675], %swap3A_678 {add = true, strides = array<i32>} : memref<8x1024xf32, #tpu.memory_space<vmem>>, vector<1x16xf32>,
        %swap3A_679 = arith.constant 3 : i32
        %swap3A_680 = arith.index_cast %swap3A_679 : i32 to index
        %swap3A_681 = arith.index_cast %mul3A_622 : i32 to index
        %swap3A_682 = tpu.vector_load %arg12[%swap3A_680, %swap3A_681] {strides = array<i32>} : memref<8x1024xf32, #tpu.memory_space<vmem>>, vector<1x16xf32>,
        %swap3A_683 = vector.shape_cast %swap3A_682 : vector<1x16xf32> to vector<16xf32>
        %swap3A_684 = vector.shape_cast %get3A_641 : vector<16xf32> to vector<1x16xf32>
        tpu.vector_store %arg12[%swap3A_680, %swap3A_681], %swap3A_684 {add = true, strides = array<i32>} : memref<8x1024xf32, #tpu.memory_space<vmem>>, vector<1x16xf32>,
        %swap3A_685 = arith.constant 4 : i32
        %swap3A_686 = arith.index_cast %swap3A_685 : i32 to index
        %swap3A_687 = arith.index_cast %mul3A_622 : i32 to index
        %swap3A_688 = tpu.vector_load %arg12[%swap3A_686, %swap3A_687] {strides = array<i32>} : memref<8x1024xf32, #tpu.memory_space<vmem>>, vector<1x16xf32>,
        %swap3A_689 = vector.shape_cast %swap3A_688 : vector<1x16xf32> to vector<16xf32>
        %swap3A_690 = vector.shape_cast %get3A_646 : vector<16xf32> to vector<1x16xf32>
        tpu.vector_store %arg12[%swap3A_686, %swap3A_687], %swap3A_690 {add = true, strides = array<i32>} : memref<8x1024xf32, #tpu.memory_space<vmem>>, vector<1x16xf32>,
        %swap3A_691 = arith.constant 5 : i32
        %swap3A_692 = arith.index_cast %swap3A_691 : i32 to index
        %swap3A_693 = arith.index_cast %mul3A_622 : i32 to index
        %swap3A_694 = tpu.vector_load %arg12[%swap3A_692, %swap3A_693] {strides = array<i32>} : memref<8x1024xf32, #tpu.memory_space<vmem>>, vector<1x16xf32>,
        %swap3A_695 = vector.shape_cast %swap3A_694 : vector<1x16xf32> to vector<16xf32>
        %swap3A_696 = vector.shape_cast %get3A_651 : vector<16xf32> to vector<1x16xf32>
        tpu.vector_store %arg12[%swap3A_692, %swap3A_693], %swap3A_696 {add = true, strides = array<i32>} : memref<8x1024xf32, #tpu.memory_space<vmem>>, vector<1x16xf32>,
        %swap3A_697 = arith.constant 6 : i32
        %swap3A_698 = arith.index_cast %swap3A_697 : i32 to index
        %swap3A_699 = arith.index_cast %mul3A_622 : i32 to index
        %swap3A_700 = tpu.vector_load %arg12[%swap3A_698, %swap3A_699] {strides = array<i32>} : memref<8x1024xf32, #tpu.memory_space<vmem>>, vector<1x16xf32>,
        %swap3A_701 = vector.shape_cast %swap3A_700 : vector<1x16xf32> to vector<16xf32>
        %swap3A_702 = vector.shape_cast %get3A_656 : vector<16xf32> to vector<1x16xf32>
        tpu.vector_store %arg12[%swap3A_698, %swap3A_699], %swap3A_702 {add = true, strides = array<i32>} : memref<8x1024xf32, #tpu.memory_space<vmem>>, vector<1x16xf32>,
        %swap3A_703 = arith.constant 7 : i32
        %swap3A_704 = arith.index_cast %swap3A_703 : i32 to index
        %swap3A_705 = arith.index_cast %mul3A_622 : i32 to index
        %swap3A_706 = tpu.vector_load %arg12[%swap3A_704, %swap3A_705] {strides = array<i32>} : memref<8x1024xf32, #tpu.memory_space<vmem>>, vector<1x16xf32>,
        %swap3A_707 = vector.shape_cast %swap3A_706 : vector<1x16xf32> to vector<16xf32>
        %swap3A_708 = vector.shape_cast %get3A_661 : vector<16xf32> to vector<1x16xf32>
        tpu.vector_store %arg12[%swap3A_704, %swap3A_705], %swap3A_708 {add = true, strides = array<i32>} : memref<8x1024xf32, #tpu.memory_space<vmem>>, vector<1x16xf32>,
      }
      %scan3A_584 = arith.constant 64 : i32
      %rem3A_585 = arith.constant 4 : i32
      %rem3A_586 = arith.remsi %add3A_560, %rem3A_585 : i32
      %mul3A_587 = arith.constant 4096 : i32
      %mul3A_588 = arith.muli %rem3A_586, %mul3A_587 : i32
      %add3A_589 = arith.addi %mul3A_588, %mul3A_2 : i32
      %div3A_590 = arith.constant 4 : i32
      %div3A_591 = arith.divsi %add3A_560, %div3A_590 : i32
      %mul3A_592 = arith.constant 8 : i32
      %mul3A_593 = arith.muli %div3A_591, %mul3A_592 : i32
      %add3A_594 = arith.addi %add3A_589, %mul3A_593 : i32
      %dma_start3A_595 = arith.constant 0 : i32
      %dma_start3A_596 = tpu.memref_slice %arg4[%add3A_594, %dma_start3A_595] : memref<16384x1024xf32, #tpu.memory_space<hbm>> -> memref<8x1024xf32, #tpu.memory_space<hbm>>
      %dma_start3A_597 = arith.constant 0 : i32
      %dma_start3A_598 = tpu.memref_slice %arg4[%add3A_594, %dma_start3A_597] : memref<16384x1024xf32, #tpu.memory_space<hbm>> -> memref<8x1024xf32, #tpu.memory_space<hbm>>
      tpu.enqueue_dma source(%arg12 : memref<8x1024xf32, #tpu.memory_space<vmem>>) target(%dma_start3A_598 : memref<8x1024xf32, #tpu.memory_space<hbm>>) target_semaphore(%arg30 : memref<!tpu.dma_semaphore, #tpu.memory_space<semaphore_mem>>)
      %sub3A_599 = arith.constant 4 : i32
      %sub3A_600 = arith.subi %add3A_560, %sub3A_599 : i32
      %add3A_601 = arith.constant 4 : i32
      %add3A_602 = arith.addi %add3A_560, %add3A_601 : i32
      %ge3A_603 = arith.constant 0 : i32
      %ge3A_604 = arith.cmpi sge, %sub3A_600, %ge3A_603 : i32
      %convert_element_type3A_605 = arith.extui %ge3A_604 : i1 to i32
      %cond3A_606 = arith.constant 0 : i32
      %cond3A_607 = arith.cmpi ne, %convert_element_type3A_605, %cond3A_606 : i32
      scf.if %cond3A_607 {
        %rem3A_620 = arith.constant 4 : i32
        %rem3A_621 = arith.remsi %sub3A_600, %rem3A_620 : i32
        %mul3A_622 = arith.constant 4096 : i32
        %mul3A_623 = arith.muli %rem3A_621, %mul3A_622 : i32
        %add3A_624 = arith.addi %mul3A_623, %mul3A_2 : i32
        %div3A_625 = arith.constant 4 : i32
        %div3A_626 = arith.divsi %sub3A_600, %div3A_625 : i32
        %mul3A_627 = arith.constant 8 : i32
        %mul3A_628 = arith.muli %div3A_626, %mul3A_627 : i32
        %add3A_629 = arith.addi %add3A_624, %mul3A_628 : i32
        %dma_wait3A_630 = arith.constant 0 : i32
        %dma_wait3A_631 = tpu.memref_slice %arg4[%add3A_629, %dma_wait3A_630] : memref<16384x1024xf32, #tpu.memory_space<hbm>> -> memref<8x1024xf32, #tpu.memory_space<hbm>>
        %dma_wait3A_632 = arith.constant 0 : i32
        %dma_wait3A_633 = tpu.memref_slice %arg4[%add3A_629, %dma_wait3A_632] : memref<16384x1024xf32, #tpu.memory_space<hbm>> -> memref<8x1024xf32, #tpu.memory_space<hbm>>
        tpu.wait_dma2 semaphore(%arg26 : memref<!tpu.dma_semaphore, #tpu.memory_space<semaphore_mem>>) src(%arg8 : memref<8x1024xf32, #tpu.memory_space<vmem>>) dst(%dma_wait3A_633 : memref<8x1024xf32, #tpu.memory_space<hbm>>)
      } else {
      }
      %lt3A_608 = arith.constant 64 : i32
      %lt3A_609 = arith.cmpi slt, %add3A_602, %lt3A_608 : i32
      %convert_element_type3A_610 = arith.extui %lt3A_609 : i1 to i32
      %cond3A_611 = arith.constant 0 : i32
      %cond3A_612 = arith.cmpi ne, %convert_element_type3A_610, %cond3A_611 : i32
      scf.if %cond3A_612 {
        %rem3A_620 = arith.constant 4 : i32
        %rem3A_621 = arith.remsi %add3A_602, %rem3A_620 : i32
        %mul3A_622 = arith.constant 4096 : i32
        %mul3A_623 = arith.muli %rem3A_621, %mul3A_622 : i32
        %add3A_624 = arith.addi %mul3A_623, %mul3A_2 : i32
        %div3A_625 = arith.constant 4 : i32
        %div3A_626 = arith.divsi %add3A_602, %div3A_625 : i32
        %mul3A_627 = arith.constant 8 : i32
        %mul3A_628 = arith.muli %div3A_626, %mul3A_627 : i32
        %add3A_629 = arith.addi %add3A_624, %mul3A_628 : i32
        %dma_start3A_630 = arith.constant 0 : i32
        %dma_start3A_631 = tpu.memref_slice %arg2[%add3A_629, %dma_start3A_630] : memref<16384x1024xf32, #tpu.memory_space<hbm>> -> memref<8x1024xf32, #tpu.memory_space<hbm>>
        %dma_start3A_632 = arith.constant 0 : i32
        %dma_start3A_633 = tpu.memref_slice %arg2[%add3A_629, %dma_start3A_632] : memref<16384x1024xf32, #tpu.memory_space<hbm>> -> memref<8x1024xf32, #tpu.memory_space<hbm>>
        tpu.enqueue_dma source(%dma_start3A_633 : memref<8x1024xf32, #tpu.memory_space<hbm>>) target(%arg8 : memref<8x1024xf32, #tpu.memory_space<vmem>>) target_semaphore(%arg18 : memref<!tpu.dma_semaphore, #tpu.memory_space<semaphore_mem>>)
      } else {
      }
      %add3A_613 = arith.constant 2 : i32
      %add3A_614 = arith.addi %add3A_564, %add3A_613 : i32
      %lt3A_615 = arith.constant 16 : i32
      %lt3A_616 = arith.cmpi slt, %add3A_614, %lt3A_615 : i32
      %convert_element_type3A_617 = arith.extui %lt3A_616 : i1 to i32
      %cond3A_618 = arith.constant 0 : i32
      %cond3A_619 = arith.cmpi ne, %convert_element_type3A_617, %cond3A_618 : i32
      scf.if %cond3A_619 {
        %add3A_620 = arith.constant 2 : i32
        %add3A_621 = arith.addi %add3A_564, %add3A_620 : i32
        %mul3A_622 = arith.constant 8 : i32
        %mul3A_623 = arith.muli %add3A_621, %mul3A_622 : i32
        %add3A_624 = arith.addi %mul3A_2, %mul3A_623 : i32
        %dma_start3A_625 = arith.constant 0 : i32
        %dma_start3A_626 = tpu.memref_slice %arg3[%add3A_624, %dma_start3A_625] : memref<4096x1024xf32, #tpu.memory_space<hbm>> -> memref<8x1024xf32, #tpu.memory_space<hbm>>
        %dma_start3A_627 = arith.constant 0 : i32
        %dma_start3A_628 = tpu.memref_slice %arg3[%add3A_624, %dma_start3A_627] : memref<4096x1024xf32, #tpu.memory_space<hbm>> -> memref<8x1024xf32, #tpu.memory_space<hbm>>
        tpu.enqueue_dma source(%dma_start3A_628 : memref<8x1024xf32, #tpu.memory_space<hbm>>) target(%arg14 : memref<8x1024xf32, #tpu.memory_space<vmem>>) target_semaphore(%arg32 : memref<!tpu.dma_semaphore, #tpu.memory_space<semaphore_mem>>)
      } else {
      }
    }
    %scan3A_84 = arith.constant 8 : i32
    %rem3A_85 = arith.constant 60 : i32
    %rem3A_86 = arith.constant 4 : i32
    %rem3A_87 = arith.remsi %rem3A_85, %rem3A_86 : i32
    %mul3A_88 = arith.constant 4096 : i32
    %mul3A_89 = arith.muli %rem3A_87, %mul3A_88 : i32
    %add3A_90 = arith.addi %mul3A_89, %mul3A_2 : i32
    %div3A_91 = arith.constant 60 : i32
    %div3A_92 = arith.constant 4 : i32
    %div3A_93 = arith.divsi %div3A_91, %div3A_92 : i32
    %mul3A_94 = arith.constant 8 : i32
    %mul3A_95 = arith.muli %div3A_93, %mul3A_94 : i32
    %add3A_96 = arith.addi %add3A_90, %mul3A_95 : i32
    %dma_wait3A = arith.constant 0 : i32
    %dma_wait3A_97 = tpu.memref_slice %arg4[%add3A_96, %dma_wait3A] : memref<16384x1024xf32, #tpu.memory_space<hbm>> -> memref<8x1024xf32, #tpu.memory_space<hbm>>
    %dma_wait3A_98 = arith.constant 0 : i32
    %dma_wait3A_99 = tpu.memref_slice %arg4[%add3A_96, %dma_wait3A_98] : memref<16384x1024xf32, #tpu.memory_space<hbm>> -> memref<8x1024xf32, #tpu.memory_space<hbm>>
    tpu.wait_dma2 semaphore(%arg27 : memref<!tpu.dma_semaphore, #tpu.memory_space<semaphore_mem>>) src(%arg9 : memref<8x1024xf32, #tpu.memory_space<vmem>>) dst(%dma_wait3A_99 : memref<8x1024xf32, #tpu.memory_space<hbm>>)
    %rem3A_100 = arith.constant 61 : i32
    %rem3A_101 = arith.constant 4 : i32
    %rem3A_102 = arith.remsi %rem3A_100, %rem3A_101 : i32
    %mul3A_103 = arith.constant 4096 : i32
    %mul3A_104 = arith.muli %rem3A_102, %mul3A_103 : i32
    %add3A_105 = arith.addi %mul3A_104, %mul3A_2 : i32
    %div3A_106 = arith.constant 61 : i32
    %div3A_107 = arith.constant 4 : i32
    %div3A_108 = arith.divsi %div3A_106, %div3A_107 : i32
    %mul3A_109 = arith.constant 8 : i32
    %mul3A_110 = arith.muli %div3A_108, %mul3A_109 : i32
    %add3A_111 = arith.addi %add3A_105, %mul3A_110 : i32
    %dma_wait3A_112 = arith.constant 0 : i32
    %dma_wait3A_113 = tpu.memref_slice %arg4[%add3A_111, %dma_wait3A_112] : memref<16384x1024xf32, #tpu.memory_space<hbm>> -> memref<8x1024xf32, #tpu.memory_space<hbm>>
    %dma_wait3A_114 = arith.constant 0 : i32
    %dma_wait3A_115 = tpu.memref_slice %arg4[%add3A_111, %dma_wait3A_114] : memref<16384x1024xf32, #tpu.memory_space<hbm>> -> memref<8x1024xf32, #tpu.memory_space<hbm>>
    tpu.wait_dma2 semaphore(%arg28 : memref<!tpu.dma_semaphore, #tpu.memory_space<semaphore_mem>>) src(%arg10 : memref<8x1024xf32, #tpu.memory_space<vmem>>) dst(%dma_wait3A_115 : memref<8x1024xf32, #tpu.memory_space<hbm>>)
    %rem3A_116 = arith.constant 62 : i32
    %rem3A_117 = arith.constant 4 : i32
    %rem3A_118 = arith.remsi %rem3A_116, %rem3A_117 : i32
    %mul3A_119 = arith.constant 4096 : i32
    %mul3A_120 = arith.muli %rem3A_118, %mul3A_119 : i32
    %add3A_121 = arith.addi %mul3A_120, %mul3A_2 : i32
    %div3A_122 = arith.constant 62 : i32
    %div3A_123 = arith.constant 4 : i32
    %div3A_124 = arith.divsi %div3A_122, %div3A_123 : i32
    %mul3A_125 = arith.constant 8 : i32
    %mul3A_126 = arith.muli %div3A_124, %mul3A_125 : i32
    %add3A_127 = arith.addi %add3A_121, %mul3A_126 : i32
    %dma_wait3A_128 = arith.constant 0 : i32
    %dma_wait3A_129 = tpu.memref_slice %arg4[%add3A_127, %dma_wait3A_128] : memref<16384x1024xf32, #tpu.memory_space<hbm>> -> memref<8x1024xf32, #tpu.memory_space<hbm>>
    %dma_wait3A_130 = arith.constant 0 : i32
    %dma_wait3A_131 = tpu.memref_slice %arg4[%add3A_127, %dma_wait3A_130] : memref<16384x1024xf32, #tpu.memory_space<hbm>> -> memref<8x1024xf32, #tpu.memory_space<hbm>>
    tpu.wait_dma2 semaphore(%arg29 : memref<!tpu.dma_semaphore, #tpu.memory_space<semaphore_mem>>) src(%arg11 : memref<8x1024xf32, #tpu.memory_space<vmem>>) dst(%dma_wait3A_131 : memref<8x1024xf32, #tpu.memory_space<hbm>>)
    %rem3A_132 = arith.constant 63 : i32
    %rem3A_133 = arith.constant 4 : i32
    %rem3A_134 = arith.remsi %rem3A_132, %rem3A_133 : i32
    %mul3A_135 = arith.constant 4096 : i32
    %mul3A_136 = arith.muli %rem3A_134, %mul3A_135 : i32
    %add3A_137 = arith.addi %mul3A_136, %mul3A_2 : i32
    %div3A_138 = arith.constant 63 : i32
    %div3A_139 = arith.constant 4 : i32
    %div3A_140 = arith.divsi %div3A_138, %div3A_139 : i32
    %mul3A_141 = arith.constant 8 : i32
    %mul3A_142 = arith.muli %div3A_140, %mul3A_141 : i32
    %add3A_143 = arith.addi %add3A_137, %mul3A_142 : i32
    %dma_wait3A_144 = arith.constant 0 : i32
    %dma_wait3A_145 = tpu.memref_slice %arg4[%add3A_143, %dma_wait3A_144] : memref<16384x1024xf32, #tpu.memory_space<hbm>> -> memref<8x1024xf32, #tpu.memory_space<hbm>>
    %dma_wait3A_146 = arith.constant 0 : i32
    %dma_wait3A_147 = tpu.memref_slice %arg4[%add3A_143, %dma_wait3A_146] : memref<16384x1024xf32, #tpu.memory_space<hbm>> -> memref<8x1024xf32, #tpu.memory_space<hbm>>
    tpu.wait_dma2 semaphore(%arg30 : memref<!tpu.dma_semaphore, #tpu.memory_space<semaphore_mem>>) src(%arg12 : memref<8x1024xf32, #tpu.memory_space<vmem>>) dst(%dma_wait3A_147 : memref<8x1024xf32, #tpu.memory_space<hbm>>)
    return
  }
}

</mosaic_0001>

<sc_bundles>
// kernel: kernel.3.cloned.1.call-start
scs
__scs_entry_jumppad:
0x0: {  	(pc) =	sbr.rel $0x88, $3  }
0x1: {  	(tag) =	ssettag $0x0;
	lr =	simm.s32 $0x1  }
0x2: {  	[smem:$0x3F9F] =	sst lr;
	_ =	strace $0xD0000000  }
0x3: {  	_ = 	snop  }
0x4: {  	_ = 	snop  }
0x5: {  	_ = 	snop  }
0x6: {  	_ = 	snop  }
0x7: {  	_ = 	snop  }
__scs_overlays_trampoline_lowered:
0x8: {  	[smem:$0x3FAE] =	sst s0  }
0x9: {  	[smem:$0x3FAF] =	sst s1  }
0xa: {  	[smem:$0x3FB0] =	sst s2  }
0xb: {  	[smem:$0x3FB1] =	sst s3  }
0xc: {  	[smem:$0x3FB2] =	sst s4  }
0xd: {  	[smem:$0x3FB3] =	sst s5  }
0xe: {  	[smem:$0x3FB4] =	sst s6  }
0xf: {  	[smem:$0x3FB5] =	sst s7  }
0x10: {  	[smem:$0x3FB6] =	sst s8  }
0x11: {  	[smem:$0x3FB7] =	sst s9;
	s0 =	simm.s32 @!p0 $0x0  }
0x12: {  	s1 =	sld [smem:$0x3F9D];
	s0 =	simm.s32 @p0 $0x1  }
0x13: {  	[smem:$0x3FB8] =	sst s0;
	s0 =	simm.s32 @!p1 $0x0  }
0x14: {  	s2 =	sld [smem:$0x3F9C];
	s0 =	simm.s32 @p1 $0x1  }
0x15: {  	[smem:$0x3FB9] =	sst s0;
	s0 =	simm.s32 @!p2 $0x0  }
0x16: {  	s3 =	sld [smem:$0x3FDB];
	s0 =	simm.s32 @p2 $0x1  }
0x17: {  	s4 =	simm.s32 $0x1BF5;
	[smem:$0x3FBB] =	sst s0  }
0x18: {  	s0 =	sld [smem:$0x3F9E];
	_ =	swait.ge [sflag:s4], $0x0  }
0x19: {  	s7 =	sld [smem:$0x3F9F]  }
0x1a: {  	s8 =	sadd.s32 $0xFFFFE003, lr  }
0x1b: {  	s9 =	sadd.s32 $0xFFFFFEF7, lr;
	s5 =	simm.s32 $0xFFFFFFFF;
	p2 =	slt.u32 s8, $0xFFFFF086  }
0x1c: {  	p1 =	slt.u32 s9, $0xF7A;
	s5 =	simm.s32 @!p2 $0x0  }
0x1d: {  	s5 =	simm.s32 @p1 $0x1;
	p0 =	seq.s32 s7, s2  }
0x1e: {  	s7 =	smul.u32 @!p0 $0xF7A, s2;
	p2 =	seq.s32 @!p0 s5, $0x0  }
0x1f: {  	s9 =	smul.u32 $0xF7A, s1;
	s8 =	simm.s32 @!p0 $0x1BF5;
	p2 =	por !p2, p0  }
0x20: {  	[sflag:s8] =	ssyncset.s32 @!p0 $0xFFFFF086;
	s6 =	sadd.s32 @!p0 s3, s7;
	s7 =	simm.s32 @!p0 $0x108  }
0x21: {  	s3 =	sadd.s32 s3, s9;
	s6 =	sadd.s32 @!p0 $0x88, s6;
	s7 =	simm.s32 @p2 $0x1082  }
0x22: {  	[simem:s7], [sflag:s8] =	dma.local @!p0 [hbm:s6], $0xF7A  }
0x23: {  	s9 =	sor.u32 $0xD0000000, s2;
	s6 =	simm.s32 $0x108;
	_ =	swait.ge @!p0 [sflag:s8], $0x0  }
0x24: {  	s3 =	sadd.s32 $0x88, s3;
	s6 =	simm.s32 @!p1 $0x1082;
	[sflag:s4] =	ssyncset.s32 $0xFFFFF086  }
0x25: {  	[simem:s6], [sflag:s4] =	dma.local [hbm:s3], $0xF7A  }
0x26: {  	[smem:$0x3F9F] =	sst s1;
	(tag) =	ssettag s2;
	_ =	strace s9  }
0x27: {  	s1 =	sld [smem:$0x3FAF]  }
0x28: {  	s2 =	sld [smem:$0x3FB0]  }
0x29: {  	s4 =	sld [smem:$0x3FB2]  }
0x2a: {  	p0 =	seq.s32 s5, $0x0;
	s5 =	sld [smem:$0x3FB3]  }
0x2b: {  	s6 =	sld [smem:$0x3FB4]  }
0x2c: {  	s7 =	sld [smem:$0x3FB5]  }
0x2d: {  	s3 =	simm.s32 $0x108;
	s8 =	sld [smem:$0x3FB6]  }
0x2e: {  	s3 =	simm.s32 @!p0 $0x1082;
	s9 =	sld [smem:$0x3FB7]  }
0x2f: {  	lr =	sadd.s32 s0, s3;
	s0 =	sld [smem:$0x3FAE]  }
0x30: {  	s3 =	sld [smem:$0x3FB1]  }
0x31: {  	[smem:$0x3FBA] =	sst s10  }
0x32: {  	s10 =	sld [smem:$0x3FB8];
	_ =	sdelay $0x3  }
0x33: {  	p0 =	seq.s32 s10, $0x1;
	s10 =	sld [smem:$0x3FBA];
	_ =	sdelay $0x3  }
0x34: {  	[smem:$0x3FBA] =	sst s10  }
0x35: {  	s10 =	sld [smem:$0x3FB9];
	_ =	sdelay $0x3  }
0x36: {  	p1 =	seq.s32 s10, $0x1;
	s10 =	sld [smem:$0x3FBA];
	_ =	sdelay $0x3  }
0x37: {  	[smem:$0x3FBA] =	sst s10  }
0x38: {  	s10 =	sld [smem:$0x3FBB]  }
0x39: {  	_ = 	snop;
	(pc) =	sbr.ind lr, $3  }
0x3a: {  	_ = 	snop  }
0x3b: {  	_ = 	snop  }
0x3c: {  	p2 =	seq.s32 s10, $0x1;
	s10 =	sld [smem:$0x3FBA]  }
0x3d: {  	_ =	shalt  }
0x3e: {  	_ =	shalt  }
0x3f: {  	_ =	shalt  }
0x40: {  	_ =	shalt  }
0x41: {  	_ =	shalt  }
0x42: {  	_ =	shalt  }
0x43: {  	_ =	shalt  }
0x44: {  	_ =	shalt  }
0x45: {  	_ =	shalt  }
0x46: {  	_ =	shalt  }
0x47: {  	_ =	shalt  }
0x48: {  	_ =	shalt  }
0x49: {  	_ =	shalt  }
0x4a: {  	_ =	shalt  }
0x4b: {  	_ =	shalt  }
0x4c: {  	_ =	shalt  }
0x4d: {  	_ =	shalt  }
0x4e: {  	_ =	shalt  }
0x4f: {  	_ =	shalt  }
0x50: {  	_ =	shalt  }
0x51: {  	_ =	shalt  }
0x52: {  	_ =	shalt  }
0x53: {  	_ =	shalt  }
0x54: {  	_ =	shalt  }
0x55: {  	_ =	shalt  }
0x56: {  	_ =	shalt  }
0x57: {  	_ =	shalt  }
0x58: {  	_ =	shalt  }
0x59: {  	_ =	shalt  }
0x5a: {  	_ =	shalt  }
0x5b: {  	_ =	shalt  }
0x5c: {  	_ =	shalt  }
0x5d: {  	_ =	shalt  }
0x5e: {  	_ =	shalt  }
0x5f: {  	_ =	shalt  }
0x60: {  	_ =	shalt  }
0x61: {  	_ =	shalt  }
0x62: {  	_ =	shalt  }
0x63: {  	_ =	shalt  }
0x64: {  	_ =	shalt  }
0x65: {  	_ =	shalt  }
0x66: {  	_ =	shalt  }
0x67: {  	_ =	shalt  }
0x68: {  	_ =	shalt  }
0x69: {  	_ =	shalt  }
0x6a: {  	_ =	shalt  }
0x6b: {  	_ =	shalt  }
0x6c: {  	_ =	shalt  }
0x6d: {  	_ =	shalt  }
0x6e: {  	_ =	shalt  }
0x6f: {  	_ =	shalt  }
0x70: {  	_ =	shalt  }
0x71: {  	_ =	shalt  }
0x72: {  	_ =	shalt  }
0x73: {  	_ =	shalt  }
0x74: {  	_ =	shalt  }
0x75: {  	_ =	shalt  }
0x76: {  	_ =	shalt  }
0x77: {  	_ =	shalt  }
0x78: {  	_ =	shalt  }
0x79: {  	_ =	shalt  }
0x7a: {  	_ =	shalt  }
0x7b: {  	_ =	shalt  }
0x7c: {  	_ =	shalt  }
0x7d: {  	_ =	shalt  }
0x7e: {  	_ =	shalt  }
0x7f: {  	_ =	shalt  }
0x80: {  	_ =	shalt  }
0x81: {  	_ =	shalt  }
0x82: {  	_ =	shalt  }
0x83: {  	_ =	shalt  }
0x84: {  	_ =	shalt  }
0x85: {  	_ =	shalt  }
0x86: {  	_ =	shalt  }
0x87: {  	_ =	shalt  }
.Lfunc_end0:
.L_simem_size_0:
called_computation_lowered:
.L_overlay_start_0:
0x88: {  	s2 =	sld [smem:$0x3FD9]  }
0x89: {  	s3 =	sld [smem:$0x3FFE];
	_ =	sdelay $0x1  }
0x8a: {  	s1 =	srdreg.scid  }
0x8b: {  	s0 =	sand.u32 $0x1, s1  }
0x8c: {  	s18 =	sshll.u32 s0, $0xA;
	s2 =	sadd.s32 s3, s2  }
0x8d: {  	s2 =	sadd.s32 s2, s18  }
0x8e: {  	[smem:$0x3FC6] =	sst s2  }
0x8f: {  	_ = 	snop  }
0x90: {  	s2 =	sld [smem:$0x3FC9]  }
0x91: {  	s19 =	sld [smem:$0x3FC8]  }
0x92: {  	s4 =	sld [smem:$0x3FD0];
	(tm) =	ssettm $0x1  }
0x93: {  	s5 =	sld [smem:$0x3FFB];
	_ =	sdelay $0x3  }
0x94: {  	_ =	strace s5  }
0x95: {  	s5 =	sld [smem:$0x3FFC];
	_ =	sdelay $0x3  }
0x96: {  	_ =	strace s5  }
0x97: {  	s5 =	sld [smem:$0x3FFD];
	_ =	sdelay $0x3  }
0x98: {  	_ =	strace s5  }
0x99: {  	_ =	strace $0x8FFFFFFF  }
0x9a: {  	s20 =	sld [smem:$0x3FDB];
	_ =	sdelay $0x1  }
0x9b: {  	s6 =	simm.s32 $_scs_section_size  }
0x9c: {  	s7 =	simm.s32 $_size__tile_overlayer_lowered;
	s8 =	simm.s32 $_tile_overlayer_lowered  }
0x9d: {  	s23 =	simm.s32 $0x1BFF;
	s22 =	sshll.u32 s8, $0x1;
	s5 =	sadd.s32 s6, s20  }
0x9e: {  	s9 =	simm.s32 $0x0;
	s21 =	sshll.u32 s7, $0x1;
	s7 =	sadd.s32 s22, s5  }
0x9f: {  	[timem:s9], [sflag:s23] =	dma.local [hbm:s7], s21  }
0xa0: {  	_ =	swait.ge [sflag:s23], s21  }
0xa1: {  	s6 =	ssub.s32 $0x0, s21;
	[sflag:s23] =	ssyncset.done $0x0  }
0xa2: {  	[sflag:s23] =	ssyncadd.s32 s6;
	_ =	sdelay $0x1  }
0xa3: {  	s24 =	simm.s32 $0x1B8B  }
0xa4: {  	_ =	swait.ge [sflag:s24], $0x1  }
0xa5: {  	[sflag:s24] =	ssyncset.done $0x0  }
0xa6: {  	s25 =	simm.s32 $0x1B8E;
	[sflag:s24] =	ssyncadd.s32 $0xFFFFFFFF  }
0xa7: {  	s26 =	simm.s32 $execute0_lowered;
	[smem:$0x3FD2] =	sst s25  }
0xa8: {  	s6 =	sshll.u32 s26, $0x1;
	_ =	strace $0x80000046;
	[dreg:$0x1] =	wrdreg $0xFFFFFFFF  }
0xa9: {  	s28 =	simm.s32 $_size_execute0_lowered;
	s5 =	sadd.s32 s5, s6;
	[dreg:$0x0] =	wrdreg $0x0  }
0xaa: {  	s6 =	sshll.u32 s28, $0x1;
	[dreg:$0x2] =	wrdreg s5  }
0xab: {  	[dreg:$0x3] =	wrdreg s6  }
0xac: {  	[dreg:$0x4] =	wrdreg $0xC0  }
0xad: {  	_ =	task [dreg:s9], $0x5FFFF  }
0xae: {  	[dreg:$0x1] =	wrdreg $0xFFFFFFFF  }
0xaf: {  	[dreg:$0x0] =	wrdreg $0x60  }
0xb0: {  	[dreg:$0x2] =	wrdreg s2  }
0xb1: {  	[dreg:$0x3] =	wrdreg s19  }
0xb2: {  	[dreg:$0x4] =	wrdreg s4  }
0xb3: {  	[dreg:$0x5] =	wrdreg $0x9  }
0xb4: {  	_ =	task.clear_ibuf [dreg:s9], $0x6FFFF;
	_ =	strace $0x90000046  }
0xb5: {  	s29 =	simm.s32 $0x9;
	_ =	strace $0x80000048  }
0xb6: {  	_ =	swait.ge [sflag:s29], $0x1  }
0xb7: {  	[sflag:s29] =	ssyncadd.s32 $0xFFFFFFFF  }
0xb8: {  	_ =	strace $0x90000048  }
0xb9: {  	_ =	sfence  }
0xba: {  	s30 =	sld [smem:$0x0];
	_ =	sdelay $0x2  }
0xbb: {  	s31 =	sshll.u32 s1, $0xD;
	s1 =	sshrl.u32 s1, $0x2  }
0xbc: {  	s3 =	sand.u32 $0x4000, s31;
	s1 =	sadd.s32 s1, s30  }
0xbd: {  	s0 =	sor.u32 s3, s0;
	s1 =	sshll.u32 s1, $0x11  }
0xbe: {  	s0 =	sor.u32 s1, s0  }
0xbf: {  	s0 =	sadd.s32 $0x8F2B, s0  }
0xc0: {  	[sflag:s0] =	ssyncadd.remote.s32 $0x1  }
0xc1: {  	_ =	sfence.sel $0xFFFF  }
0xc2: {  	[dreg:$0x0] =	wrdreg $0xFFFFFFFF;
	(pc) =	sbr.abs _section_cstart, $3  }
0xc3: {  	[dreg:$0x1] =	wrdreg $0xFFFFFFFF  }
0xc4: {  	_ =	task.clear_ibuf [dreg:s9], $0x2FFFF;
	_ =	strace $0x9FFFFFFF  }
0xc5: {  	(tm) =	ssettm $0x7FFFFFFF  }
tec
execute0_lowered:
.L_overlay_start_1:
0x0: {  	(tag) =	ssettag $0x1  }
0x1: {  	s2 =	rddreg [dreg:$0x0]  }
0x2: {  	s6 =	rddreg [dreg:$0x1];
	s0 =	srdreg.scid  }
0x3: {  	s4 =	rddreg [dreg:$0x2];
	s1 =	stileid.u32;
	s5 =	simm.s32 $0x0  }
0x4: {  	s30 =	simm.s32 $0x6000;
	s31 =	simm.s32 $0x1;
	s28 =	simm.s32 $0x8000  }
0x5: {  	s11 =	simm.s32 $0x4;
	s0 =	sand.u32 $0x1, s0;
	s1 =	sshll.u32 s1, $0x8  }
0x6: {  	[smem:$0x7FF] =	sst s5;
	s20 =	sadd.s32 $0x80000, s4;
	s21 =	sadd.s32 $0x100000, s4  }
0x7: {  	s3 =	sshll.u32 s0, $0x7;
	_ =	strace $0x80000047;
	[dreg:$0xc] =	wrdreg s20  }
0x8: {  	s22 =	sadd.s32 $0x180000, s4;
	[dreg:$0xd] =	wrdreg s21;
	s1 =	sor.u32 s3, s1  }
0x9: {  	s10 =	simm.s32 $0x5;
	[dreg:$0xe] =	wrdreg s22;
	s7 =	sshll.u32 s1, $0x7  }
0xa: {  	s29 =	simm.s32 $0x6;
	s6 =	sadd.s32 s6, s7;
	[dreg:$0x4] =	wrdreg s7  }
0xb: {  	s1 =	sshrl.u32 s1, $0x3;
	s19 =	sor.u32 $0x400, s7;
	[dreg:$0x8] =	wrdreg s6  }
0xc: {  	s9 =	simm.s32 $0x0;
	s23 =	sor.u32 $0x2, s1;
	[dreg:$0xb] =	wrdreg s19  }
0xd: {  	s0 =	ssub.s32 $0x2, s0;
	s16 =	sadd.s32 s2, s7;
	[dreg:$0xf] =	wrdreg s23  }
0xe: {  	s21 =	simm.s32 $0x8;
	s24 =	sor.u32 $0x200, s1;
	[dreg:$0x5] =	wrdreg s16  }
0xf: {  	s22 =	simm.s32 $0xC;
	s25 =	sor.u32 $0x400, s1;
	[dreg:$0x11] =	wrdreg s24  }
0x10: {  	s15 =	sshrl.u32 s0, $0x1;
	s26 =	sor.u32 $0x600, s1;
	[dreg:$0x12] =	wrdreg s25  }
0x11: {  	s0 =	ssub.s32 s0, s15;
	s1 =	sor.u32 $0x3, s1;
	[dreg:$0x13] =	wrdreg s26  }
0x12: {  	s0 =	smax.u32 s0, $0x1;
	s7 =	simm.s32 $0x9;
	[dreg:$0x14] =	wrdreg s1  }
0x13: {  	s8 =	sadd.s32 $0x80000, s16;
	s17 =	sadd.s32 $0x100000, s16;
	[dreg:$0x15] =	wrdreg s0  }
.Ltmp0:
0x14: {  	s18 =	sadd.s32 $0x180000, s16;
	[dreg:$0x6] =	wrdreg s8;
	(pc) =	sbr.rel .LBB2_1-.Ltmp0, $4  }
0x15: {  	s6 =	sadd.s32 $0x400, s6;
	s3 =	sadd.s32 $0x800, s16;
	[dreg:$0x7] =	wrdreg s17  }
0x16: {  	s1 =	simm.s32 $0x2;
	s23 =	simm.s32 $0x12;
	[dreg:$0x9] =	wrdreg s18  }
0x17: {  	s24 =	simm.s32 $0xA;
	s25 =	simm.s32 $0x7;
	[dreg:$0xa] =	wrdreg s6  }
0x18: {  	[dreg:$0x10] =	wrdreg s3;
	s8 =	simm.s32 $0x3;
	s3 =	simm.s32 $0xB  }
.LBB2_20:
0x19: {  	s0 =	simm.s32 $0xD  }
0x1a: {  	_ =	swait.ge [sflag:s0], $0x2000  }
0x1b: {  	[sflag:s0] =	ssyncset.done $0x0  }
0x1c: {  	s19 =	simm.s32 $0xE;
	[sflag:s0] =	ssyncadd.s32 $0xFFFFE000  }
0x1d: {  	_ =	swait.ge [sflag:s19], $0x2000  }
0x1e: {  	[sflag:s19] =	ssyncset.done $0x0  }
0x1f: {  	s20 =	simm.s32 $0xF;
	[sflag:s19] =	ssyncadd.s32 $0xFFFFE000  }
0x20: {  	_ =	swait.ge [sflag:s20], $0x2000  }
0x21: {  	[sflag:s20] =	ssyncset.done $0x0  }
0x22: {  	s6 =	simm.s32 $0x10;
	[sflag:s20] =	ssyncadd.s32 $0xFFFFE000  }
0x23: {  	_ =	swait.ge [sflag:s6], $0x2000  }
0x24: {  	s9 =	rddreg [dreg:$0x16]  }
0x25: {  	s26 =	rddreg [dreg:$0x15];
	s9 =	sadd.s32 $0x1, s9  }
0x26: {  	p0 =	sne.s32 s9, s26  }
.Ltmp1:
0x27: {  	_ = 	snop;
	(pc) =	sbr.rel @!p0 .LBB2_21-.Ltmp1, $3  }
0x28: {  	_ =	sdelay $0x1  }
0x29: {  	[sflag:s6] =	ssyncset.done $0x0  }
0x2a: {  	[sflag:s6] =	ssyncadd.s32 $0xFFFFE000  }
.LBB2_1:
0x2b: {  	[dreg:$0x16] =	wrdreg s9  }
0x2c: {  	s0 =	rddreg [dreg:$0x5]  }
0x2d: {  	[tilespmem:s5], [sflag:$0x1] =	stream.linear.gather [hbm4b:s0+s5], $0x2000, $0x38;
	[tilespmem:$0x14000] =	vst v63  }
0x2e: {  	s14 =	rddreg [dreg:$0x6];
	s6 =	simm.s32 $0x2000  }
0x2f: {  	[tilespmem:s6], [sflag:$0x2] =	stream.linear.gather [hbm4b:s14+s5], $0x2000, $0x38;
	[tilespmem:$0x14000] =	vst v63  }
0x30: {  	s15 =	rddreg [dreg:$0x7];
	s16 =	simm.s32 $0x4000  }
0x31: {  	[tilespmem:s16], [sflag:$0x3] =	stream.linear.gather [hbm4b:s15+s5], $0x2000, $0x38;
	[tilespmem:$0x14000] =	vst v63  }
0x32: {  	s17 =	rddreg [dreg:$0x9]  }
0x33: {  	[tilespmem:s30], [sflag:$0x4] =	stream.linear.gather [hbm4b:s17+s5], $0x2000, $0x38;
	[tilespmem:$0x14000] =	vst v63  }
0x34: {  	s18 =	rddreg [dreg:$0x8];
	s19 =	simm.s32 $0x10000  }
0x35: {  	[tilespmem:s19], [sflag:$0x11] =	stream.linear.gather [hbm4b:s18+s5], $0x2000, $0x38;
	[tilespmem:$0x14000] =	vst v63  }
0x36: {  	s20 =	rddreg [dreg:$0xa];
	s26 =	simm.s32 $0x12000;
	s6 =	simm.s32 $0x0  }
0x37: {  	[tilespmem:s26], [sflag:$0x12] =	stream.linear.gather [hbm4b:s20+s5], $0x2000, $0x38;
	[tilespmem:$0x14000] =	vst v63  }
.LBB2_2:
0x38: {  	s0 =	simm.s32 $0x11  }
0x39: {  	_ =	swait.ge [sflag:s0], $0x2000  }
0x3a: {  	[sflag:s0] =	ssyncset.done $0x0  }
0x3b: {  	[sflag:s0] =	ssyncadd.s32 $0xFFFFE000  }
0x3c: {  	s18 =	simm.s32 $0x0;
	_ =	swait.ge [sflag:s31], $0x2000  }
0x3d: {  	s13 =	sand.u32 $0x70, s18;
	s14 =	sand.u32 $0x1C00, s18;
	[sflag:s31] =	ssyncset.done $0x0  }
0x3e: {  	s14 =	sor.u32 s13, s14;
	[sflag:s31] =	ssyncadd.s32 $0xFFFFE000  }
0x3f: {  	v2 =	vld [tilespmem:s14+$0x10180]  }
0x40: {  	v3 =	vld [tilespmem:s14+$0x10100]  }
0x41: {  	s0 =	sor.u32 s18, s18;
	v4 =	vld [tilespmem:s14+$0x10080]  }
0x42: {  	s13 =	sor.u32 $0x380, s0;
	v5 =	vld [tilespmem:s14+$0x10000]  }
0x43: {  	v0 =	vld [tilespmem:s13+$0x10000]  }
0x44: {  	v6 =	vld [tilespmem:s14+$0x10200]  }
0x45: {  	v7 =	vld [tilespmem:s14+$0x10280]  }
0x46: {  	v1 =	vld [tilespmem:s14+$0x10300]  }
0x47: {  	s19 =	sor.u32 $0x80, s14;
	[tilespmem:s14+$0x0] =	vst.add.f32.msk $0xffff, v5  }
0x48: {  	s15 =	sor.u32 $0x100, s14;
	[tilespmem:s19+$0x0] =	vst.add.f32.msk $0xffff, v4  }
0x49: {  	s20 =	sor.u32 $0x180, s14;
	[tilespmem:s15+$0x0] =	vst.add.f32.msk $0xffff, v3  }
0x4a: {  	s26 =	sor.u32 $0x200, s14;
	[tilespmem:s20+$0x0] =	vst.add.f32.msk $0xffff, v2  }
0x4b: {  	s16 =	sor.u32 $0x280, s14;
	[tilespmem:s26+$0x0] =	vst.add.f32.msk $0xffff, v6  }
0x4c: {  	s0 =	sor.u32 $0x300, s14;
	s14 =	simm.s32 $0x80;
	s15 =	simm.s32 $0x10;
	[tilespmem:s16+$0x0] =	vst.add.f32.msk $0xffff, v7  }
.LBB2_3:
0x4d: {  	s16 =	sand.u32 $0x70, s15  }
0x4e: {  	s17 =	sand.u32 $0x1C00, s14;
	[tilespmem:s0+$0x0] =	vst.add.f32.msk $0xffff, v1;
	s0 =	smov.u32 s15;
	s18 =	sadd.s32 $0x10, s15  }
0x4f: {  	p0 =	sne.s32 s15, $0x3F0;
	s16 =	sor.u32 s16, s17;
	[tilespmem:s13+$0x0] =	vst.add.f32.msk $0xffff, v0  }
0x50: {  	v2 =	vld [tilespmem:s16+$0x10180]  }
0x51: {  	v3 =	vld [tilespmem:s16+$0x10100]  }
0x52: {  	s0 =	sor.u32 s14, s0;
	v4 =	vld [tilespmem:s16+$0x10080]  }
0x53: {  	s13 =	sor.u32 $0x380, s0;
	v5 =	vld [tilespmem:s16+$0x10000]  }
0x54: {  	v0 =	vld [tilespmem:s13+$0x10000]  }
0x55: {  	v6 =	vld [tilespmem:s16+$0x10200]  }
0x56: {  	v7 =	vld [tilespmem:s16+$0x10280]  }
0x57: {  	s0 =	sor.u32 $0x80, s16;
	v1 =	vld [tilespmem:s16+$0x10300]  }
0x58: {  	s15 =	sor.u32 $0x100, s16;
	[tilespmem:s16+$0x0] =	vst.add.f32.msk $0xffff, v5  }
.Ltmp2:
0x59: {  	s17 =	sor.u32 $0x180, s16;
	[tilespmem:s0+$0x0] =	vst.add.f32.msk $0xffff, v4;
	(pc) =	sbr.rel @p0 .LBB2_3-.Ltmp2, $4  }
0x5a: {  	s19 =	sor.u32 $0x200, s16;
	[tilespmem:s15+$0x0] =	vst.add.f32.msk $0xffff, v3  }
0x5b: {  	s15 =	sor.u32 $0x280, s16;
	[tilespmem:s17+$0x0] =	vst.add.f32.msk $0xffff, v2  }
0x5c: {  	s0 =	sor.u32 $0x300, s16;
	[tilespmem:s19+$0x0] =	vst.add.f32.msk $0xffff, v6  }
0x5d: {  	s14 =	sadd.s32 $0x80, s14;
	[tilespmem:s15+$0x0] =	vst.add.f32.msk $0xffff, v7;
	s15 =	smov.u32 s18  }
0x5e: {  	s14 =	sshll.u32 s6, $0xB;
	s26 =	rddreg [dreg:$0x4]  }
0x5f: {  	[tilespmem:s0+$0x0] =	vst.add.f32.msk $0xffff, v1;
	s15 =	sor.u32 s26, s14  }
0x60: {  	p0 =	seq.s32 s6, $0x0;
	[tilespmem:s13+$0x0] =	vst.add.f32.msk $0xffff, v0;
	s0 =	sadd.s32 s4, s15  }
0x61: {  	[hbm4b:s0+s5] =	stream.linear.scatter [tilespmem:s5], [sflag:$0x9], $0x2000, $0x38;
	[tilespmem:$0x14000] =	vst v63  }
0x62: {  	s0 =	simm.s32 @!p0 $0xD  }
0x63: {  	_ =	swait.ge @!p0 [sflag:s0], $0x2000  }
0x64: {  	s9 =	rddreg [dreg:$0xb]  }
0x65: {  	[sflag:s0] =	ssyncset.done @!p0 $0x0;
	s17 =	sadd.s32 s9, s14  }
0x66: {  	s12 =	simm.s32 $0x0;
	[sflag:s0] =	ssyncadd.s32 @!p0 $0xFFFFE000;
	s9 =	sadd.s32 s2, s17  }
0x67: {  	[tilespmem:s28], [sflag:$0x5] =	stream.linear.gather [hbm4b:s9+s12], $0x2000, $0x38;
	[tilespmem:$0x14000] =	vst v63  }
0x68: {  	_ =	swait.ge [sflag:s1], $0x2000  }
0x69: {  	s18 =	sand.u32 $0x70, s12;
	s16 =	sand.u32 $0x1C00, s12;
	[sflag:s1] =	ssyncset.done $0x0  }
0x6a: {  	s0 =	sor.u32 s18, s16;
	[sflag:s1] =	ssyncadd.s32 $0xFFFFE000  }
0x6b: {  	v2 =	vld [tilespmem:s0+$0x10180]  }
0x6c: {  	v3 =	vld [tilespmem:s0+$0x10100]  }
0x6d: {  	v4 =	vld [tilespmem:s0+$0x10080]  }
0x6e: {  	v5 =	vld [tilespmem:s0+$0x10000]  }
0x6f: {  	v6 =	vld [tilespmem:s0+$0x10200]  }
0x70: {  	s13 =	sor.u32 s12, s12;
	v7 =	vld [tilespmem:s0+$0x10280]  }
0x71: {  	s16 =	sor.u32 $0x380, s13;
	v1 =	vld [tilespmem:s0+$0x10300]  }
0x72: {  	s19 =	sor.u32 $0x2000, s0;
	v0 =	vld [tilespmem:s16+$0x10000]  }
0x73: {  	s18 =	sor.u32 $0x2080, s0;
	[tilespmem:s19+$0x0] =	vst.add.f32.msk $0xffff, v5  }
0x74: {  	s20 =	sor.u32 $0x2100, s0;
	[tilespmem:s18+$0x0] =	vst.add.f32.msk $0xffff, v4  }
0x75: {  	s26 =	sor.u32 $0x2180, s0;
	[tilespmem:s20+$0x0] =	vst.add.f32.msk $0xffff, v3  }
0x76: {  	s19 =	sor.u32 $0x2200, s0;
	[tilespmem:s26+$0x0] =	vst.add.f32.msk $0xffff, v2  }
0x77: {  	s13 =	sshll.u32 s6, $0x3;
	s28 =	sor.u32 $0x2280, s0;
	[tilespmem:s19+$0x0] =	vst.add.f32.msk $0xffff, v6  }
0x78: {  	s0 =	sor.u32 $0x2300, s0;
	s18 =	simm.s32 $0x80;
	s19 =	simm.s32 $0x10;
	[tilespmem:s28+$0x0] =	vst.add.f32.msk $0xffff, v7  }
.LBB2_5:
0x79: {  	s20 =	sand.u32 $0x70, s19  }
0x7a: {  	s26 =	sand.u32 $0x1C00, s18;
	s28 =	sor.u32 s18, s19;
	[tilespmem:s0+$0x0] =	vst.add.f32.msk $0xffff, v1;
	s0 =	smov.u32 s19  }
0x7b: {  	s0 =	sor.u32 s20, s26;
	s20 =	sadd.s32 $0x10, s19;
	[tilespmem:s16+$0x2000] =	vst.add.f32.msk $0xffff, v0;
	s16 =	sor.u32 $0x380, s28  }
0x7c: {  	p1 =	sne.s32 s19, $0x3F0;
	v2 =	vld [tilespmem:s0+$0x10180]  }
0x7d: {  	v3 =	vld [tilespmem:s0+$0x10100]  }
0x7e: {  	v4 =	vld [tilespmem:s0+$0x10080]  }
0x7f: {  	v5 =	vld [tilespmem:s0+$0x10000]  }
0x80: {  	v6 =	vld [tilespmem:s0+$0x10200]  }
0x81: {  	v7 =	vld [tilespmem:s0+$0x10280]  }
0x82: {  	s19 =	sor.u32 $0x2000, s0;
	v1 =	vld [tilespmem:s0+$0x10300]  }
0x83: {  	s26 =	sor.u32 $0x2080, s0;
	v0 =	vld [tilespmem:s16+$0x10000]  }
0x84: {  	[tilespmem:s19+$0x0] =	vst.add.f32.msk $0xffff, v5;
	s19 =	sor.u32 $0x2100, s0  }
.Ltmp3:
0x85: {  	[tilespmem:s26+$0x0] =	vst.add.f32.msk $0xffff, v4;
	s26 =	sor.u32 $0x2180, s0;
	(pc) =	sbr.rel @p1 .LBB2_5-.Ltmp3, $4  }
0x86: {  	[tilespmem:s19+$0x0] =	vst.add.f32.msk $0xffff, v3;
	s19 =	sor.u32 $0x2200, s0  }
0x87: {  	[tilespmem:s26+$0x0] =	vst.add.f32.msk $0xffff, v2;
	s26 =	sor.u32 $0x2280, s0  }
0x88: {  	s0 =	sor.u32 $0x2300, s0;
	[tilespmem:s19+$0x0] =	vst.add.f32.msk $0xffff, v6  }
0x89: {  	s18 =	sadd.s32 $0x80, s18;
	s19 =	smov.u32 s20;
	[tilespmem:s26+$0x0] =	vst.add.f32.msk $0xffff, v7  }
0x8a: {  	[tilespmem:s0+$0x0] =	vst.add.f32.msk $0xffff, v1;
	s18 =	rddreg [dreg:$0xc]  }
0x8b: {  	s9 =	simm.s32 $0x2000;
	[tilespmem:s16+$0x2000] =	vst.add.f32.msk $0xffff, v0;
	s0 =	sadd.s32 s15, s18  }
0x8c: {  	[hbm4b:s0+s5] =	stream.linear.scatter [tilespmem:s9], [sflag:$0xA], $0x2000, $0x38;
	[tilespmem:$0x14000] =	vst v63  }
0x8d: {  	s0 =	simm.s32 @!p0 $0xE  }
0x8e: {  	s19 =	sand.u32 $0x1FF7FC00, s17;
	_ =	swait.ge @!p0 [sflag:s0], $0x2000  }
0x8f: {  	s26 =	simm.s32 $0x0;
	s19 =	sor.u32 $0x80000, s19;
	[sflag:s0] =	ssyncset.done @!p0 $0x0  }
0x90: {  	s28 =	simm.s32 $0xA000;
	s20 =	sadd.s32 s2, s19;
	[sflag:s0] =	ssyncadd.s32 @!p0 $0xFFFFE000  }
0x91: {  	[tilespmem:s28], [sflag:$0x6] =	stream.linear.gather [hbm4b:s20+s26], $0x2000, $0x38;
	[tilespmem:$0x14000] =	vst v63  }
0x92: {  	_ =	swait.ge [sflag:s8], $0x2000  }
0x93: {  	s18 =	sand.u32 $0x1C00, s26;
	s9 =	sand.u32 $0x70, s26;
	[sflag:s8] =	ssyncset.done $0x0  }
0x94: {  	s0 =	sor.u32 s9, s18;
	[sflag:s8] =	ssyncadd.s32 $0xFFFFE000  }
0x95: {  	v2 =	vld [tilespmem:s0+$0x10180]  }
0x96: {  	v3 =	vld [tilespmem:s0+$0x10100]  }
0x97: {  	v4 =	vld [tilespmem:s0+$0x10080]  }
0x98: {  	v5 =	vld [tilespmem:s0+$0x10000]  }
0x99: {  	v6 =	vld [tilespmem:s0+$0x10200]  }
0x9a: {  	s16 =	sor.u32 s26, s26;
	v7 =	vld [tilespmem:s0+$0x10280]  }
0x9b: {  	s16 =	sor.u32 $0x380, s16;
	v1 =	vld [tilespmem:s0+$0x10300]  }
0x9c: {  	s18 =	sor.u32 $0x4000, s0;
	v0 =	vld [tilespmem:s16+$0x10000]  }
0x9d: {  	s20 =	sor.u32 $0x4080, s0;
	[tilespmem:s18+$0x0] =	vst.add.f32.msk $0xffff, v5  }
0x9e: {  	s12 =	sor.u32 $0x4100, s0;
	[tilespmem:s20+$0x0] =	vst.add.f32.msk $0xffff, v4  }
0x9f: {  	s26 =	sor.u32 $0x4180, s0;
	[tilespmem:s12+$0x0] =	vst.add.f32.msk $0xffff, v3  }
0xa0: {  	s28 =	sor.u32 $0x4200, s0;
	[tilespmem:s26+$0x0] =	vst.add.f32.msk $0xffff, v2  }
0xa1: {  	s26 =	sor.u32 $0x4280, s0;
	[tilespmem:s28+$0x0] =	vst.add.f32.msk $0xffff, v6  }
0xa2: {  	s18 =	simm.s32 $0x80;
	s20 =	simm.s32 $0x10;
	s0 =	sor.u32 $0x4300, s0;
	[tilespmem:s26+$0x0] =	vst.add.f32.msk $0xffff, v7  }
.LBB2_7:
0xa3: {  	s26 =	sand.u32 $0x70, s20  }
0xa4: {  	s28 =	sand.u32 $0x1C00, s18;
	s9 =	sor.u32 s18, s20;
	[tilespmem:s0+$0x0] =	vst.add.f32.msk $0xffff, v1;
	s0 =	smov.u32 s20  }
0xa5: {  	s0 =	sor.u32 s26, s28;
	s26 =	sadd.s32 $0x10, s20;
	[tilespmem:s16+$0x4000] =	vst.add.f32.msk $0xffff, v0;
	s16 =	sor.u32 $0x380, s9  }
0xa6: {  	p1 =	sne.s32 s20, $0x3F0;
	v2 =	vld [tilespmem:s0+$0x10180]  }
0xa7: {  	v3 =	vld [tilespmem:s0+$0x10100]  }
0xa8: {  	v4 =	vld [tilespmem:s0+$0x10080]  }
0xa9: {  	v5 =	vld [tilespmem:s0+$0x10000]  }
0xaa: {  	v6 =	vld [tilespmem:s0+$0x10200]  }
0xab: {  	v7 =	vld [tilespmem:s0+$0x10280]  }
0xac: {  	s9 =	sor.u32 $0x4000, s0;
	v1 =	vld [tilespmem:s0+$0x10300]  }
0xad: {  	s20 =	sor.u32 $0x4080, s0;
	v0 =	vld [tilespmem:s16+$0x10000]  }
0xae: {  	[tilespmem:s9+$0x0] =	vst.add.f32.msk $0xffff, v5;
	s9 =	sor.u32 $0x4100, s0  }
.Ltmp4:
0xaf: {  	[tilespmem:s20+$0x0] =	vst.add.f32.msk $0xffff, v4;
	s20 =	sor.u32 $0x4180, s0;
	(pc) =	sbr.rel @p1 .LBB2_7-.Ltmp4, $4  }
0xb0: {  	[tilespmem:s9+$0x0] =	vst.add.f32.msk $0xffff, v3;
	s9 =	sor.u32 $0x4200, s0  }
0xb1: {  	[tilespmem:s20+$0x0] =	vst.add.f32.msk $0xffff, v2;
	s20 =	sor.u32 $0x4280, s0  }
0xb2: {  	s0 =	sor.u32 $0x4300, s0;
	[tilespmem:s9+$0x0] =	vst.add.f32.msk $0xffff, v6  }
0xb3: {  	s18 =	sadd.s32 $0x80, s18;
	[tilespmem:s20+$0x0] =	vst.add.f32.msk $0xffff, v7;
	s20 =	smov.u32 s26  }
0xb4: {  	[tilespmem:s0+$0x0] =	vst.add.f32.msk $0xffff, v1;
	s18 =	rddreg [dreg:$0xd]  }
0xb5: {  	s9 =	simm.s32 $0x4000;
	[tilespmem:s16+$0x4000] =	vst.add.f32.msk $0xffff, v0;
	s0 =	sadd.s32 s15, s18  }
0xb6: {  	[hbm4b:s0+s5] =	stream.linear.scatter [tilespmem:s9], [sflag:$0xB], $0x2000, $0x38;
	[tilespmem:$0x14000] =	vst v63  }
0xb7: {  	s0 =	simm.s32 @!p0 $0xF  }
0xb8: {  	s20 =	sand.u32 $0x1FEFFC00, s17;
	_ =	swait.ge @!p0 [sflag:s0], $0x2000  }
0xb9: {  	s28 =	simm.s32 $0x0;
	s18 =	sor.u32 $0x100000, s20;
	[sflag:s0] =	ssyncset.done @!p0 $0x0  }
0xba: {  	s12 =	simm.s32 $0xC000;
	s26 =	sadd.s32 s2, s18;
	[sflag:s0] =	ssyncadd.s32 @!p0 $0xFFFFE000  }
0xbb: {  	[tilespmem:s12], [sflag:$0x7] =	stream.linear.gather [hbm4b:s26+s28], $0x2000, $0x38;
	[tilespmem:$0x14000] =	vst v63  }
0xbc: {  	_ =	swait.ge [sflag:s11], $0x2000  }
0xbd: {  	s16 =	sand.u32 $0x70, s28;
	s20 =	sand.u32 $0x1C00, s28;
	[sflag:s11] =	ssyncset.done $0x0  }
0xbe: {  	s0 =	sor.u32 s16, s20;
	[sflag:s11] =	ssyncadd.s32 $0xFFFFE000  }
0xbf: {  	v2 =	vld [tilespmem:s0+$0x10180]  }
0xc0: {  	v3 =	vld [tilespmem:s0+$0x10100]  }
0xc1: {  	v4 =	vld [tilespmem:s0+$0x10080]  }
0xc2: {  	v5 =	vld [tilespmem:s0+$0x10000]  }
0xc3: {  	v6 =	vld [tilespmem:s0+$0x10200]  }
0xc4: {  	s9 =	sor.u32 s28, s28;
	v7 =	vld [tilespmem:s0+$0x10280]  }
0xc5: {  	s16 =	sor.u32 $0x380, s9;
	v1 =	vld [tilespmem:s0+$0x10300]  }
0xc6: {  	s26 =	sor.u32 $0x6000, s0;
	v0 =	vld [tilespmem:s16+$0x10000]  }
0xc7: {  	s20 =	sor.u32 $0x6080, s0;
	[tilespmem:s26+$0x0] =	vst.add.f32.msk $0xffff, v5  }
0xc8: {  	s28 =	sor.u32 $0x6100, s0;
	[tilespmem:s20+$0x0] =	vst.add.f32.msk $0xffff, v4  }
0xc9: {  	s12 =	sor.u32 $0x6180, s0;
	[tilespmem:s28+$0x0] =	vst.add.f32.msk $0xffff, v3  }
0xca: {  	s26 =	sor.u32 $0x6200, s0;
	[tilespmem:s12+$0x0] =	vst.add.f32.msk $0xffff, v2  }
0xcb: {  	s28 =	sor.u32 $0x6280, s0;
	[tilespmem:s26+$0x0] =	vst.add.f32.msk $0xffff, v6  }
0xcc: {  	s20 =	simm.s32 $0x80;
	s0 =	sor.u32 $0x6300, s0;
	s26 =	simm.s32 $0x10;
	[tilespmem:s28+$0x0] =	vst.add.f32.msk $0xffff, v7  }
.LBB2_9:
0xcd: {  	s9 =	sand.u32 $0x70, s26  }
0xce: {  	s28 =	sand.u32 $0x1C00, s20;
	s12 =	sor.u32 s20, s26;
	[tilespmem:s0+$0x0] =	vst.add.f32.msk $0xffff, v1;
	s0 =	smov.u32 s26  }
0xcf: {  	s0 =	sor.u32 s9, s28;
	s9 =	sadd.s32 $0x10, s26;
	[tilespmem:s16+$0x6000] =	vst.add.f32.msk $0xffff, v0;
	s16 =	sor.u32 $0x380, s12  }
0xd0: {  	p1 =	sne.s32 s26, $0x3F0;
	v2 =	vld [tilespmem:s0+$0x10180]  }
0xd1: {  	v3 =	vld [tilespmem:s0+$0x10100]  }
0xd2: {  	v4 =	vld [tilespmem:s0+$0x10080]  }
0xd3: {  	v5 =	vld [tilespmem:s0+$0x10000]  }
0xd4: {  	v6 =	vld [tilespmem:s0+$0x10200]  }
0xd5: {  	v7 =	vld [tilespmem:s0+$0x10280]  }
0xd6: {  	s12 =	sor.u32 $0x6000, s0;
	v1 =	vld [tilespmem:s0+$0x10300]  }
0xd7: {  	s26 =	sor.u32 $0x6080, s0;
	v0 =	vld [tilespmem:s16+$0x10000]  }
0xd8: {  	[tilespmem:s12+$0x0] =	vst.add.f32.msk $0xffff, v5;
	s12 =	sor.u32 $0x6100, s0  }
.Ltmp5:
0xd9: {  	[tilespmem:s26+$0x0] =	vst.add.f32.msk $0xffff, v4;
	s26 =	sor.u32 $0x6180, s0;
	(pc) =	sbr.rel @p1 .LBB2_9-.Ltmp5, $4  }
0xda: {  	[tilespmem:s12+$0x0] =	vst.add.f32.msk $0xffff, v3;
	s12 =	sor.u32 $0x6200, s0  }
0xdb: {  	[tilespmem:s26+$0x0] =	vst.add.f32.msk $0xffff, v2;
	s26 =	sor.u32 $0x6280, s0  }
0xdc: {  	s0 =	sor.u32 $0x6300, s0;
	[tilespmem:s12+$0x0] =	vst.add.f32.msk $0xffff, v6  }
0xdd: {  	s20 =	sadd.s32 $0x80, s20;
	[tilespmem:s26+$0x0] =	vst.add.f32.msk $0xffff, v7;
	s26 =	smov.u32 s9  }
0xde: {  	[tilespmem:s0+$0x0] =	vst.add.f32.msk $0xffff, v1  }
0xdf: {  	[tilespmem:s16+$0x6000] =	vst.add.f32.msk $0xffff, v0;
	s16 =	rddreg [dreg:$0xe]  }
0xe0: {  	s0 =	sadd.s32 s15, s16  }
0xe1: {  	[hbm4b:s0+s5] =	stream.linear.scatter [tilespmem:s30], [sflag:$0xC], $0x2000, $0x38;
	[tilespmem:$0x14000] =	vst v63  }
0xe2: {  	s9 =	sand.u32 $0x1FE7FC00, s17;
	s0 =	simm.s32 @!p0 $0x10  }
0xe3: {  	s26 =	simm.s32 $0xE000;
	s16 =	sor.u32 $0x180000, s9;
	_ =	swait.ge @!p0 [sflag:s0], $0x2000  }
0xe4: {  	s15 =	sshll.u32 s6, $0x1;
	s20 =	sadd.s32 s2, s16;
	[sflag:s0] =	ssyncset.done @!p0 $0x0  }
0xe5: {  	[sflag:s0] =	ssyncadd.s32 @!p0 $0xFFFFE000;
	p0 =	seq.s32 s6, $0x7;
	s0 =	rddreg [dreg:$0xf]  }
0xe6: {  	[tilespmem:s26], [sflag:$0x8] =	stream.linear.gather [hbm4b:s20+s5], $0x2000, $0x38;
	[tilespmem:$0x14000] =	vst v63  }
0xe7: {  	s0 =	sadd.s32 @!p0 s15, s0  }
0xe8: {  	s0 =	sshll.u32 @!p0 s0, $0xA  }
0xe9: {  	s9 =	rddreg [dreg:$0x1];
	s0 =	sand.u32 @!p0 $0x1FFFF800, s0  }
0xea: {  	s12 =	simm.s32 @!p0 $0x10000;
	s0 =	sadd.s32 @!p0 s9, s0;
	s9 =	simm.s32 @!p0 $0x0  }
0xeb: {  	[tilespmem:s12], [sflag:$0x11] =	stream.linear.gather @!p0 [hbm4b:s0+s9], $0x2000, $0x38;
	[tilespmem:$0x14000] =	vst v63  }
0xec: {  	_ =	swait.ge [sflag:s23], $0x2000  }
0xed: {  	[sflag:s23] =	ssyncset.done $0x0  }
0xee: {  	[sflag:s23] =	ssyncadd.s32 $0xFFFFE000  }
0xef: {  	s30 =	simm.s32 $0x0;
	_ =	swait.ge [sflag:s10], $0x2000  }
0xf0: {  	s20 =	sand.u32 $0x70, s30;
	s26 =	sand.u32 $0x1C00, s30;
	[sflag:s10] =	ssyncset.done $0x0  }
0xf1: {  	s9 =	sor.u32 s20, s26;
	[sflag:s10] =	ssyncadd.s32 $0xFFFFE000  }
0xf2: {  	v2 =	vld [tilespmem:s9+$0x12180]  }
0xf3: {  	v3 =	vld [tilespmem:s9+$0x12100]  }
0xf4: {  	v4 =	vld [tilespmem:s9+$0x12080]  }
0xf5: {  	v5 =	vld [tilespmem:s9+$0x12000]  }
0xf6: {  	v6 =	vld [tilespmem:s9+$0x12200]  }
0xf7: {  	s0 =	sor.u32 s30, s30;
	v7 =	vld [tilespmem:s9+$0x12280]  }
0xf8: {  	s20 =	sor.u32 $0x380, s0;
	v1 =	vld [tilespmem:s9+$0x12300]  }
0xf9: {  	s30 =	sor.u32 $0x8000, s9;
	v0 =	vld [tilespmem:s20+$0x12000]  }
0xfa: {  	s12 =	sor.u32 $0x8080, s9;
	[tilespmem:s30+$0x0] =	vst.add.f32.msk $0xffff, v5  }
0xfb: {  	s26 =	sor.u32 $0x8100, s9;
	[tilespmem:s12+$0x0] =	vst.add.f32.msk $0xffff, v4  }
0xfc: {  	s30 =	sor.u32 $0x8180, s9;
	[tilespmem:s26+$0x0] =	vst.add.f32.msk $0xffff, v3  }
0xfd: {  	s26 =	sor.u32 $0x8200, s9;
	[tilespmem:s30+$0x0] =	vst.add.f32.msk $0xffff, v2  }
0xfe: {  	s30 =	sor.u32 $0x8280, s9;
	[tilespmem:s26+$0x0] =	vst.add.f32.msk $0xffff, v6  }
0xff: {  	s0 =	simm.s32 $0x10;
	s28 =	sor.u32 $0x8300, s9;
	s26 =	simm.s32 $0x80;
	[tilespmem:s30+$0x0] =	vst.add.f32.msk $0xffff, v7  }
.LBB2_11:
0x100: {  	s9 =	sand.u32 $0x70, s0  }
0x101: {  	s12 =	sand.u32 $0x1C00, s26;
	s30 =	sor.u32 s26, s0;
	[tilespmem:s28+$0x0] =	vst.add.f32.msk $0xffff, v1;
	s28 =	smov.u32 s0  }
0x102: {  	s9 =	sor.u32 s9, s12;
	s12 =	sadd.s32 $0x10, s0;
	[tilespmem:s20+$0x8000] =	vst.add.f32.msk $0xffff, v0;
	s20 =	sor.u32 $0x380, s30  }
0x103: {  	p1 =	sne.s32 s0, $0x3F0;
	v2 =	vld [tilespmem:s9+$0x12180]  }
0x104: {  	v3 =	vld [tilespmem:s9+$0x12100]  }
0x105: {  	v4 =	vld [tilespmem:s9+$0x12080]  }
0x106: {  	v5 =	vld [tilespmem:s9+$0x12000]  }
0x107: {  	v6 =	vld [tilespmem:s9+$0x12200]  }
0x108: {  	v7 =	vld [tilespmem:s9+$0x12280]  }
0x109: {  	s0 =	sor.u32 $0x8000, s9;
	v1 =	vld [tilespmem:s9+$0x12300]  }
0x10a: {  	s28 =	sor.u32 $0x8080, s9;
	v0 =	vld [tilespmem:s20+$0x12000]  }
0x10b: {  	[tilespmem:s0+$0x0] =	vst.add.f32.msk $0xffff, v5;
	s0 =	sor.u32 $0x8100, s9  }
.Ltmp6:
0x10c: {  	[tilespmem:s28+$0x0] =	vst.add.f32.msk $0xffff, v4;
	s28 =	sor.u32 $0x8180, s9;
	(pc) =	sbr.rel @p1 .LBB2_11-.Ltmp6, $4  }
0x10d: {  	[tilespmem:s0+$0x0] =	vst.add.f32.msk $0xffff, v3;
	s0 =	sor.u32 $0x8200, s9  }
0x10e: {  	s30 =	sor.u32 $0x8280, s9;
	[tilespmem:s28+$0x0] =	vst.add.f32.msk $0xffff, v2  }
0x10f: {  	s28 =	sor.u32 $0x8300, s9;
	[tilespmem:s0+$0x0] =	vst.add.f32.msk $0xffff, v6  }
0x110: {  	s26 =	sadd.s32 $0x80, s26;
	s0 =	smov.u32 s12;
	[tilespmem:s30+$0x0] =	vst.add.f32.msk $0xffff, v7  }
0x111: {  	[tilespmem:s28+$0x0] =	vst.add.f32.msk $0xffff, v1  }
0x112: {  	s0 =	sadd.s32 s4, s17;
	s28 =	simm.s32 $0x8000;
	[tilespmem:s20+$0x8000] =	vst.add.f32.msk $0xffff, v0  }
0x113: {  	[hbm4b:s0+s5] =	stream.linear.scatter [tilespmem:s28], [sflag:$0xD], $0x2000, $0x38;
	[tilespmem:$0x14000] =	vst v63  }
0x114: {  	_ =	swait.ge [sflag:s7], $0x2000  }
0x115: {  	[sflag:s7] =	ssyncset.done $0x0;
	s0 =	rddreg [dreg:$0x10]  }
0x116: {  	s9 =	simm.s32 @!p0 $0x0;
	[sflag:s7] =	ssyncadd.s32 $0xFFFFE000;
	s0 =	sadd.s32 @!p0 s14, s0  }
0x117: {  	[tilespmem:s9], [sflag:$0x1] =	stream.linear.gather @!p0 [hbm4b:s0+s9], $0x2000, $0x38;
	[tilespmem:$0x14000] =	vst v63  }
0x118: {  	s20 =	simm.s32 $0x0;
	_ =	swait.ge [sflag:s29], $0x2000  }
0x119: {  	s26 =	sand.u32 $0x70, s20;
	s12 =	sand.u32 $0x1C00, s20;
	[sflag:s29] =	ssyncset.done $0x0  }
0x11a: {  	s9 =	sor.u32 s26, s12;
	[sflag:s29] =	ssyncadd.s32 $0xFFFFE000  }
0x11b: {  	v2 =	vld [tilespmem:s9+$0x12180]  }
0x11c: {  	v3 =	vld [tilespmem:s9+$0x12100]  }
0x11d: {  	v4 =	vld [tilespmem:s9+$0x12080]  }
0x11e: {  	v5 =	vld [tilespmem:s9+$0x12000]  }
0x11f: {  	v6 =	vld [tilespmem:s9+$0x12200]  }
0x120: {  	s0 =	sor.u32 s20, s20;
	v7 =	vld [tilespmem:s9+$0x12280]  }
0x121: {  	s14 =	sor.u32 $0x380, s0;
	v1 =	vld [tilespmem:s9+$0x12300]  }
0x122: {  	s30 =	sor.u32 $0xA000, s9;
	v0 =	vld [tilespmem:s14+$0x12000]  }
0x123: {  	s12 =	sor.u32 $0xA080, s9;
	[tilespmem:s30+$0x0] =	vst.add.f32.msk $0xffff, v5  }
0x124: {  	s17 =	sor.u32 $0xA100, s9;
	[tilespmem:s12+$0x0] =	vst.add.f32.msk $0xffff, v4  }
0x125: {  	s20 =	sor.u32 $0xA180, s9;
	[tilespmem:s17+$0x0] =	vst.add.f32.msk $0xffff, v3  }
0x126: {  	s26 =	sor.u32 $0xA200, s9;
	[tilespmem:s20+$0x0] =	vst.add.f32.msk $0xffff, v2  }
0x127: {  	s30 =	sor.u32 $0xA280, s9;
	[tilespmem:s26+$0x0] =	vst.add.f32.msk $0xffff, v6  }
0x128: {  	s0 =	simm.s32 $0x10;
	s17 =	simm.s32 $0x80;
	s20 =	sor.u32 $0xA300, s9;
	[tilespmem:s30+$0x0] =	vst.add.f32.msk $0xffff, v7  }
.LBB2_13:
0x129: {  	s9 =	sand.u32 $0x70, s0  }
0x12a: {  	s12 =	sand.u32 $0x1C00, s17;
	s26 =	sor.u32 s17, s0;
	[tilespmem:s20+$0x0] =	vst.add.f32.msk $0xffff, v1;
	s20 =	smov.u32 s0  }
0x12b: {  	s9 =	sor.u32 s9, s12;
	s12 =	sadd.s32 $0x10, s0;
	[tilespmem:s14+$0xA000] =	vst.add.f32.msk $0xffff, v0;
	s14 =	sor.u32 $0x380, s26  }
0x12c: {  	p1 =	sne.s32 s0, $0x3F0;
	v2 =	vld [tilespmem:s9+$0x12180]  }
0x12d: {  	v3 =	vld [tilespmem:s9+$0x12100]  }
0x12e: {  	v4 =	vld [tilespmem:s9+$0x12080]  }
0x12f: {  	v5 =	vld [tilespmem:s9+$0x12000]  }
0x130: {  	v6 =	vld [tilespmem:s9+$0x12200]  }
0x131: {  	v7 =	vld [tilespmem:s9+$0x12280]  }
0x132: {  	s0 =	sor.u32 $0xA000, s9;
	v1 =	vld [tilespmem:s9+$0x12300]  }
0x133: {  	s20 =	sor.u32 $0xA080, s9;
	v0 =	vld [tilespmem:s14+$0x12000]  }
0x134: {  	[tilespmem:s0+$0x0] =	vst.add.f32.msk $0xffff, v5;
	s0 =	sor.u32 $0xA100, s9  }
.Ltmp7:
0x135: {  	[tilespmem:s20+$0x0] =	vst.add.f32.msk $0xffff, v4;
	s20 =	sor.u32 $0xA180, s9;
	(pc) =	sbr.rel @p1 .LBB2_13-.Ltmp7, $4  }
0x136: {  	[tilespmem:s0+$0x0] =	vst.add.f32.msk $0xffff, v3;
	s0 =	sor.u32 $0xA200, s9  }
0x137: {  	s26 =	sor.u32 $0xA280, s9;
	[tilespmem:s20+$0x0] =	vst.add.f32.msk $0xffff, v2  }
0x138: {  	s20 =	sor.u32 $0xA300, s9;
	[tilespmem:s0+$0x0] =	vst.add.f32.msk $0xffff, v6  }
0x139: {  	s17 =	sadd.s32 $0x80, s17;
	s0 =	smov.u32 s12;
	[tilespmem:s26+$0x0] =	vst.add.f32.msk $0xffff, v7  }
0x13a: {  	[tilespmem:s20+$0x0] =	vst.add.f32.msk $0xffff, v1  }
0x13b: {  	s0 =	sadd.s32 s4, s19;
	s9 =	simm.s32 $0xA000;
	[tilespmem:s14+$0xA000] =	vst.add.f32.msk $0xffff, v0  }
0x13c: {  	[hbm4b:s0+s5] =	stream.linear.scatter [tilespmem:s9], [sflag:$0xE], $0x2000, $0x38;
	[tilespmem:$0x14000] =	vst v63  }
0x13d: {  	s13 =	sadd.s32 $0x8, s13;
	_ =	swait.ge [sflag:s24], $0x2000  }
0x13e: {  	s14 =	sshrl.u32 @!p0 s13, $0x2;
	s0 =	rddreg [dreg:$0x11]  }
0x13f: {  	s0 =	sadd.s32 @!p0 s14, s0  }
0x140: {  	s12 =	simm.s32 @!p0 $0x2000;
	[sflag:s24] =	ssyncset.done $0x0;
	s0 =	sshll.u32 @!p0 s0, $0xA  }
0x141: {  	s9 =	simm.s32 @!p0 $0x0;
	[sflag:s24] =	ssyncadd.s32 $0xFFFFE000;
	s0 =	sadd.s32 @!p0 s2, s0  }
0x142: {  	[tilespmem:s12], [sflag:$0x2] =	stream.linear.gather @!p0 [hbm4b:s0+s9], $0x2000, $0x38;
	[tilespmem:$0x14000] =	vst v63  }
0x143: {  	s19 =	simm.s32 $0x0;
	_ =	swait.ge [sflag:s25], $0x2000  }
0x144: {  	s20 =	sand.u32 $0x70, s19;
	s26 =	sand.u32 $0x1C00, s19;
	[sflag:s25] =	ssyncset.done $0x0  }
0x145: {  	s9 =	sor.u32 s20, s26;
	[sflag:s25] =	ssyncadd.s32 $0xFFFFE000  }
0x146: {  	v2 =	vld [tilespmem:s9+$0x12180]  }
0x147: {  	v3 =	vld [tilespmem:s9+$0x12100]  }
0x148: {  	v4 =	vld [tilespmem:s9+$0x12080]  }
0x149: {  	v5 =	vld [tilespmem:s9+$0x12000]  }
0x14a: {  	v6 =	vld [tilespmem:s9+$0x12200]  }
0x14b: {  	s0 =	sor.u32 s19, s19;
	v7 =	vld [tilespmem:s9+$0x12280]  }
0x14c: {  	s17 =	sor.u32 $0x380, s0;
	v1 =	vld [tilespmem:s9+$0x12300]  }
0x14d: {  	s30 =	sor.u32 $0xC000, s9;
	v0 =	vld [tilespmem:s17+$0x12000]  }
0x14e: {  	s12 =	sor.u32 $0xC080, s9;
	[tilespmem:s30+$0x0] =	vst.add.f32.msk $0xffff, v5  }
0x14f: {  	s19 =	sor.u32 $0xC100, s9;
	[tilespmem:s12+$0x0] =	vst.add.f32.msk $0xffff, v4  }
0x150: {  	s20 =	sor.u32 $0xC180, s9;
	[tilespmem:s19+$0x0] =	vst.add.f32.msk $0xffff, v3  }
0x151: {  	s26 =	sor.u32 $0xC200, s9;
	[tilespmem:s20+$0x0] =	vst.add.f32.msk $0xffff, v2  }
0x152: {  	s30 =	sor.u32 $0xC280, s9;
	[tilespmem:s26+$0x0] =	vst.add.f32.msk $0xffff, v6  }
0x153: {  	s0 =	simm.s32 $0x10;
	s19 =	simm.s32 $0x80;
	s20 =	sor.u32 $0xC300, s9;
	[tilespmem:s30+$0x0] =	vst.add.f32.msk $0xffff, v7  }
.LBB2_15:
0x154: {  	s9 =	sand.u32 $0x70, s0  }
0x155: {  	s12 =	sand.u32 $0x1C00, s19;
	s26 =	sor.u32 s19, s0;
	[tilespmem:s20+$0x0] =	vst.add.f32.msk $0xffff, v1;
	s20 =	smov.u32 s0  }
0x156: {  	s9 =	sor.u32 s9, s12;
	s12 =	sadd.s32 $0x10, s0;
	[tilespmem:s17+$0xC000] =	vst.add.f32.msk $0xffff, v0;
	s17 =	sor.u32 $0x380, s26  }
0x157: {  	p1 =	sne.s32 s0, $0x3F0;
	v2 =	vld [tilespmem:s9+$0x12180]  }
0x158: {  	v3 =	vld [tilespmem:s9+$0x12100]  }
0x159: {  	v4 =	vld [tilespmem:s9+$0x12080]  }
0x15a: {  	v5 =	vld [tilespmem:s9+$0x12000]  }
0x15b: {  	v6 =	vld [tilespmem:s9+$0x12200]  }
0x15c: {  	v7 =	vld [tilespmem:s9+$0x12280]  }
0x15d: {  	s0 =	sor.u32 $0xC000, s9;
	v1 =	vld [tilespmem:s9+$0x12300]  }
0x15e: {  	s20 =	sor.u32 $0xC080, s9;
	v0 =	vld [tilespmem:s17+$0x12000]  }
0x15f: {  	[tilespmem:s0+$0x0] =	vst.add.f32.msk $0xffff, v5;
	s0 =	sor.u32 $0xC100, s9  }
.Ltmp8:
0x160: {  	[tilespmem:s20+$0x0] =	vst.add.f32.msk $0xffff, v4;
	s20 =	sor.u32 $0xC180, s9;
	(pc) =	sbr.rel @p1 .LBB2_15-.Ltmp8, $4  }
0x161: {  	[tilespmem:s0+$0x0] =	vst.add.f32.msk $0xffff, v3;
	s0 =	sor.u32 $0xC200, s9  }
0x162: {  	s26 =	sor.u32 $0xC280, s9;
	[tilespmem:s20+$0x0] =	vst.add.f32.msk $0xffff, v2  }
0x163: {  	s20 =	sor.u32 $0xC300, s9;
	[tilespmem:s0+$0x0] =	vst.add.f32.msk $0xffff, v6  }
0x164: {  	s19 =	sadd.s32 $0x80, s19;
	s0 =	smov.u32 s12;
	[tilespmem:s26+$0x0] =	vst.add.f32.msk $0xffff, v7  }
0x165: {  	[tilespmem:s20+$0x0] =	vst.add.f32.msk $0xffff, v1  }
0x166: {  	s0 =	sadd.s32 s4, s18;
	s9 =	simm.s32 $0xC000;
	[tilespmem:s17+$0xC000] =	vst.add.f32.msk $0xffff, v0  }
0x167: {  	[hbm4b:s0+s5] =	stream.linear.scatter [tilespmem:s9], [sflag:$0xF], $0x2000, $0x38;
	[tilespmem:$0x14000] =	vst v63  }
0x168: {  	_ =	swait.ge [sflag:s3], $0x2000  }
0x169: {  	s0 =	rddreg [dreg:$0x12]  }
0x16a: {  	s0 =	sadd.s32 @!p0 s14, s0  }
0x16b: {  	s12 =	simm.s32 @!p0 $0x4000;
	[sflag:s3] =	ssyncset.done $0x0;
	s0 =	sshll.u32 @!p0 s0, $0xA  }
0x16c: {  	s9 =	simm.s32 @!p0 $0x0;
	[sflag:s3] =	ssyncadd.s32 $0xFFFFE000;
	s0 =	sadd.s32 @!p0 s2, s0  }
0x16d: {  	[tilespmem:s12], [sflag:$0x3] =	stream.linear.gather @!p0 [hbm4b:s0+s9], $0x2000, $0x38;
	[tilespmem:$0x14000] =	vst v63  }
0x16e: {  	s26 =	simm.s32 $0x0;
	_ =	swait.ge [sflag:s21], $0x2000  }
0x16f: {  	s14 =	sand.u32 $0x1C00, s26;
	s12 =	sand.u32 $0x70, s26;
	[sflag:s21] =	ssyncset.done $0x0  }
0x170: {  	s9 =	sor.u32 s12, s14;
	[sflag:s21] =	ssyncadd.s32 $0xFFFFE000  }
0x171: {  	v2 =	vld [tilespmem:s9+$0x12180]  }
0x172: {  	v3 =	vld [tilespmem:s9+$0x12100]  }
0x173: {  	v4 =	vld [tilespmem:s9+$0x12080]  }
0x174: {  	v5 =	vld [tilespmem:s9+$0x12000]  }
0x175: {  	v6 =	vld [tilespmem:s9+$0x12200]  }
0x176: {  	s0 =	sor.u32 s26, s26;
	v7 =	vld [tilespmem:s9+$0x12280]  }
0x177: {  	s14 =	sor.u32 $0x380, s0;
	v1 =	vld [tilespmem:s9+$0x12300]  }
0x178: {  	s17 =	sor.u32 $0xE000, s9;
	v0 =	vld [tilespmem:s14+$0x12000]  }
0x179: {  	s12 =	sor.u32 $0xE080, s9;
	[tilespmem:s17+$0x0] =	vst.add.f32.msk $0xffff, v5  }
0x17a: {  	s18 =	sor.u32 $0xE100, s9;
	[tilespmem:s12+$0x0] =	vst.add.f32.msk $0xffff, v4  }
0x17b: {  	s19 =	sor.u32 $0xE180, s9;
	[tilespmem:s18+$0x0] =	vst.add.f32.msk $0xffff, v3  }
0x17c: {  	s20 =	sor.u32 $0xE200, s9;
	[tilespmem:s19+$0x0] =	vst.add.f32.msk $0xffff, v2  }
0x17d: {  	s30 =	simm.s32 $0x6000;
	s26 =	sor.u32 $0xE280, s9;
	[tilespmem:s20+$0x0] =	vst.add.f32.msk $0xffff, v6  }
0x17e: {  	s0 =	simm.s32 $0x10;
	s17 =	simm.s32 $0x80;
	s18 =	sor.u32 $0xE300, s9;
	[tilespmem:s26+$0x0] =	vst.add.f32.msk $0xffff, v7  }
.LBB2_17:
0x17f: {  	s9 =	sand.u32 $0x70, s0  }
0x180: {  	s12 =	sand.u32 $0x1C00, s17;
	s19 =	sor.u32 s17, s0;
	[tilespmem:s18+$0x0] =	vst.add.f32.msk $0xffff, v1;
	s18 =	smov.u32 s0  }
0x181: {  	s9 =	sor.u32 s9, s12;
	s12 =	sadd.s32 $0x10, s0;
	[tilespmem:s14+$0xE000] =	vst.add.f32.msk $0xffff, v0;
	s14 =	sor.u32 $0x380, s19  }
0x182: {  	p1 =	sne.s32 s0, $0x3F0;
	v2 =	vld [tilespmem:s9+$0x12180]  }
0x183: {  	v3 =	vld [tilespmem:s9+$0x12100]  }
0x184: {  	v4 =	vld [tilespmem:s9+$0x12080]  }
0x185: {  	v5 =	vld [tilespmem:s9+$0x12000]  }
0x186: {  	v6 =	vld [tilespmem:s9+$0x12200]  }
0x187: {  	v7 =	vld [tilespmem:s9+$0x12280]  }
0x188: {  	s0 =	sor.u32 $0xE000, s9;
	v1 =	vld [tilespmem:s9+$0x12300]  }
0x189: {  	s18 =	sor.u32 $0xE080, s9;
	v0 =	vld [tilespmem:s14+$0x12000]  }
0x18a: {  	[tilespmem:s0+$0x0] =	vst.add.f32.msk $0xffff, v5;
	s0 =	sor.u32 $0xE100, s9  }
.Ltmp9:
0x18b: {  	[tilespmem:s18+$0x0] =	vst.add.f32.msk $0xffff, v4;
	s18 =	sor.u32 $0xE180, s9;
	(pc) =	sbr.rel @p1 .LBB2_17-.Ltmp9, $4  }
0x18c: {  	[tilespmem:s0+$0x0] =	vst.add.f32.msk $0xffff, v3;
	s0 =	sor.u32 $0xE200, s9  }
0x18d: {  	s19 =	sor.u32 $0xE280, s9;
	[tilespmem:s18+$0x0] =	vst.add.f32.msk $0xffff, v2  }
0x18e: {  	s18 =	sor.u32 $0xE300, s9;
	[tilespmem:s0+$0x0] =	vst.add.f32.msk $0xffff, v6  }
0x18f: {  	s17 =	sadd.s32 $0x80, s17;
	s0 =	smov.u32 s12;
	[tilespmem:s19+$0x0] =	vst.add.f32.msk $0xffff, v7  }
0x190: {  	[tilespmem:s18+$0x0] =	vst.add.f32.msk $0xffff, v1  }
.Ltmp10:
0x191: {  	s0 =	sadd.s32 s4, s16;
	s9 =	simm.s32 $0xE000;
	[tilespmem:s14+$0xE000] =	vst.add.f32.msk $0xffff, v0;
	(pc) =	sbr.rel @p0 .LBB2_20-.Ltmp10, $4  }
0x192: {  	[hbm4b:s0+s5] =	stream.linear.scatter [tilespmem:s9], [sflag:$0x10], $0x2000, $0x38;
	[tilespmem:$0x14000] =	vst v63  }
0x193: {  	_ =	swait.ge [sflag:s22], $0x2000  }
0x194: {  	[sflag:s22] =	ssyncset.done $0x0  }
0x195: {  	[sflag:s22] =	ssyncadd.s32 $0xFFFFE000  }
0x196: {  	s0 =	sshrl.u32 s13, $0x2;
	s9 =	rddreg [dreg:$0x13]  }
0x197: {  	s0 =	sadd.s32 s0, s9  }
0x198: {  	s0 =	sshll.u32 s0, $0xA  }
0x199: {  	s0 =	sadd.s32 s2, s0  }
0x19a: {  	[tilespmem:s30], [sflag:$0x4] =	stream.linear.gather [hbm4b:s0+s5], $0x2000, $0x38;
	[tilespmem:$0x14000] =	vst v63  }
.Ltmp11:
0x19b: {  	s19 =	rddreg [dreg:$0x14];
	(pc) =	sbr.rel .LBB2_2-.Ltmp11, $4  }
0x19c: {  	s0 =	sadd.s32 s15, s19  }
0x19d: {  	s20 =	rddreg [dreg:$0x1];
	s0 =	sshll.u32 s0, $0xA  }
0x19e: {  	s26 =	simm.s32 $0x12000;
	s6 =	sadd.s32 $0x1, s6;
	s0 =	sadd.s32 s20, s0  }
0x19f: {  	[tilespmem:s26], [sflag:$0x12] =	stream.linear.gather [hbm4b:s0+s5], $0x2000, $0x38;
	[tilespmem:$0x14000] =	vst v63  }
.LBB2_21:
0x1a0: {  	_ =	sfence.sel $0x180000  }
0x1a1: {  	[bflag:$0x0] =	sbarrier.arrive $0xFFFF  }
0x1a2: {  	_ =	strace $0x90000047  }
0x1a3: {  	s0 =	stileid.u32;
	[bflag:$0x2] =	sbarrier.arrive $0xFFFF  }
0x1a4: {  	p0 =	sne.s32 s0, $0x0;
	s0 =	rddreg [dreg:$0x3]  }
0x1a5: {  	s0 =	sadd.s32 @!p0 $0x100000, s0  }
0x1a6: {  	[sflag:s0] =	ssyncadd.tile.s32 @!p0 $0x1;
	_ =	shalt  }
.Lfunc_end2:
_tile_overlayer_lowered:
.L_overlay_start_2:
0x1a7: {  	(tag) =	ssettag $0x2  }
0x1a8: {  	s0 =	rddreg [dreg:$0x0];
	s2 =	stileid.u32  }
0x1a9: {  	s1 =	rddreg [dreg:$0x1];
	p0 =	sne.s32 s2, $0x0  }
0x1aa: {  	s3 =	rddreg [dreg:$0x2];
	[bflag:$0x3] =	sbarrier.arrive $0xFFFF;
	s2 =	simm.s32 @!p0 $0x1C13  }
0x1ab: {  	[timem:s3], [sflag:s2] =	dma.local @!p0 [hbm:s0], s1  }
0x1ac: {  	s0 =	simm.s32 @!p0 $0x13  }
0x1ad: {  	_ =	swait.ge @!p0 [sflag:s0], s1  }
0x1ae: {  	s1 =	ssub.s32 @!p0 $0x0, s1;
	[sflag:s0] =	ssyncset.done @!p0 $0x0  }
0x1af: {  	[sflag:s0] =	ssyncadd.s32 @!p0 s1  }
0x1b0: {  	[bflag:$0x3] =	sbarrier.arrive $0xFFFF  }
0x1b1: {  	_ =	shalt  }

</sc_bundles>
